<compile_context>
chip_gen: v7x
topology: tpu7x:2x2x1
jax: 0.10.2.dev20260603
libtpu: 0.0.44.dev20260713+nightly
codegen_flags: <defaults>
</compile_context>

<pallas_src>
import functools

import jax
import jax.numpy as jnp
from jax import lax
from jax.experimental import pallas as pl
from jax.experimental.pallas import tpu as pltpu
from jax.experimental.pallas import tpu_sc as plsc

B, N, M = 8, 8192, 1024
C1, C2 = 64, 128
C_IN, C_OUT = 192, 128

TN = 4096
NB = N // TN


def _knn_body(unknown_ref, knownt_ref, idx0_ref, idx1_ref, idx2_ref, w_ref,
              *, boff):
    b = pl.program_id(0) + boff
    d = None
    for c in range(3):
        uc = unknown_ref[0, :, c:c + 1]
        kc = knownt_ref[0, c:c + 1, :]
        t = uc - kc
        d = t * t if d is None else d + t * t
    iota_f = lax.broadcasted_iota(jnp.int32, (TN, M), 1).astype(jnp.float32)
    dists, idxs = [], []
    for r in range(3):
        mj = jnp.min(d, axis=1, keepdims=True)
        msk = d <= mj
        ij = jnp.min(jnp.where(msk, iota_f, jnp.float32(M)), axis=1,
                     keepdims=True)
        if r < 2:
            d = jnp.where(msk, jnp.float32(jnp.inf), d)
        dists.append(mj)
        idxs.append(ij.astype(jnp.int32))
    recip = [1.0 / (dj + 1e-8) for dj in dists]
    norm = recip[0] + recip[1] + recip[2]
    wcols = jnp.concatenate(
        [r / norm for r in recip] + [jnp.zeros((TN, 5), jnp.float32)],
        axis=1)
    w_ref[0] = jnp.transpose(wcols, (1, 0))
    base = b * M
    icols = jnp.concatenate([i + base for i in idxs], axis=1)
    irows = jnp.transpose(icols, (1, 0))
    idx0_ref[0] = irows[0:1]
    idx1_ref[0] = irows[1:2]
    idx2_ref[0] = irows[2:3]


def _knn(unknown, knownt, bh, boff):
    nbt = bh * NB
    return pl.pallas_call(
        functools.partial(_knn_body, boff=boff),
        grid=(bh, NB),
        in_specs=[
            pl.BlockSpec((1, TN, 3), lambda b, n: (b + boff, n, 0)),
            pl.BlockSpec((1, 3, M), lambda b, n: (b + boff, 0, 0)),
        ],
        out_specs=[
            pl.BlockSpec((1, 1, TN), lambda b, n: (b * NB + n, 0, 0)),
            pl.BlockSpec((1, 1, TN), lambda b, n: (b * NB + n, 0, 0)),
            pl.BlockSpec((1, 1, TN), lambda b, n: (b * NB + n, 0, 0)),
            pl.BlockSpec((1, 8, TN), lambda b, n: (b * NB + n, 0, 0)),
        ],
        out_shape=[
            jax.ShapeDtypeStruct((nbt, 1, TN), jnp.int32),
            jax.ShapeDtypeStruct((nbt, 1, TN), jnp.int32),
            jax.ShapeDtypeStruct((nbt, 1, TN), jnp.int32),
            jax.ShapeDtypeStruct((nbt, 8, TN), jnp.float32),
        ],
    )(unknown, knownt)


_NC = 2
_NS = 16
_NW = _NC * _NS
_CH = 128


@functools.cache
def _sc_gather_kernel(pts):
    per_w = pts // _NW
    nch = per_w // _CH

    def body_fn(table, i0, i1, i2, g0, g1, g2,
                i0_v, i1_v, i2_v, r0_v, r1_v, r2_v, sem):
        wid = lax.axis_index("s") * _NC + lax.axis_index("c")
        base = wid * per_w

        def body(ci, carry):
            off = base + ci * _CH
            pltpu.sync_copy(i0.at[pl.ds(off, _CH)], i0_v)
            pltpu.sync_copy(i1.at[pl.ds(off, _CH)], i1_v)
            pltpu.sync_copy(i2.at[pl.ds(off, _CH)], i2_v)
            c0 = pltpu.async_copy(table.at[i0_v], r0_v, sem)
            c1 = pltpu.async_copy(table.at[i1_v], r1_v, sem)
            c2 = pltpu.async_copy(table.at[i2_v], r2_v, sem)
            c0.wait()
            c1.wait()
            c2.wait()
            pltpu.sync_copy(r0_v, g0.at[pl.ds(off, _CH)])
            pltpu.sync_copy(r1_v, g1.at[pl.ds(off, _CH)])
            pltpu.sync_copy(r2_v, g2.at[pl.ds(off, _CH)])
            return carry

        lax.fori_loop(0, nch, body, 0)

    return functools.partial(
        pl.kernel,
        mesh=plsc.VectorSubcoreMesh(core_axis_name="c", subcore_axis_name="s",
                                    num_cores=_NC, num_subcores=_NS),
        out_type=[jax.ShapeDtypeStruct((pts, C2), jnp.float32)] * 3,
        scratch_types=[
            pltpu.VMEM((_CH,), jnp.int32),
            pltpu.VMEM((_CH,), jnp.int32),
            pltpu.VMEM((_CH,), jnp.int32),
            pltpu.VMEM((_CH, C2), jnp.float32),
            pltpu.VMEM((_CH, C2), jnp.float32),
            pltpu.VMEM((_CH, C2), jnp.float32),
            pltpu.SemaphoreType.DMA,
        ],
    )(body_fn)


def _mlp_body(*refs):
    g0_ref, g1_ref, g2_ref, w_ref, uf_ref, W_ref, b_ref = refs[:7]
    y_ref, acc_ref = refs[-2:]
    b = pl.program_id(0)
    nb = pl.program_id(1)
    w = jnp.transpose(w_ref[0], (1, 0))
    x1 = (g0_ref[...] * w[:, 0:1] + g1_ref[...] * w[:, 1:2]
          + g2_ref[...] * w[:, 2:3])
    uf = uf_ref[0]
    Wm = W_ref[...]
    y = lax.dot_general(Wm[:, :C2], x1, (((1,), (1,)), ((), ())),
                        preferred_element_type=jnp.float32)
    y = y + lax.dot_general(Wm[:, C2:], uf, (((1,), (0,)), ((), ())),
                            preferred_element_type=jnp.float32)
    y = y + b_ref[...]
    y_ref[0] = y
    part = jnp.concatenate([jnp.sum(y, axis=1, keepdims=True),
                            jnp.sum(y * y, axis=1, keepdims=True)], axis=1)

    @pl.when((b == 0) & (nb == 0))
    def _init():
        acc_ref[...] = jnp.zeros_like(acc_ref)

    acc_ref[...] += part


def _mlp(g0, g1, g2, wts, unknow_feats, W, b2, bh, boff, y_prev=None):
    in_specs = [
        pl.BlockSpec((TN, C2), lambda b, n: (b * NB + n, 0)),
        pl.BlockSpec((TN, C2), lambda b, n: (b * NB + n, 0)),
        pl.BlockSpec((TN, C2), lambda b, n: (b * NB + n, 0)),
        pl.BlockSpec((1, 8, TN), lambda b, n: (b * NB + n, 0, 0)),
        pl.BlockSpec((1, C1, TN), lambda b, n: (b + boff, 0, n)),
        pl.BlockSpec((C_OUT, C_IN), lambda b, n: (0, 0)),
        pl.BlockSpec((C_OUT, 1), lambda b, n: (0, 0)),
    ]
    args = [g0, g1, g2, wts, unknow_feats, W, b2]
    kwargs = {}
    if y_prev is not None:
        in_specs.append(pl.BlockSpec(memory_space=pl.ANY))
        args.append(y_prev)
        kwargs["input_output_aliases"] = {7: 0}
    return pl.pallas_call(
        _mlp_body,
        grid=(bh, NB),
        in_specs=in_specs,
        out_specs=[
            pl.BlockSpec((1, C_OUT, TN), lambda b, n, boff=boff: (b + boff, 0, n)),
            pl.BlockSpec((C_OUT, 2), lambda b, n: (0, 0)),
        ],
        out_shape=[
            jax.ShapeDtypeStruct((B, C_OUT, N), jnp.float32),
            jax.ShapeDtypeStruct((C_OUT, 2), jnp.float32),
        ],
        **kwargs,
    )(*args)


def _bn_body(y_ref, acc_ref, gamma_ref, beta_ref, out_ref):
    cnt = jnp.float32(B * N)
    mean = acc_ref[:, 0:1] / cnt
    var = acc_ref[:, 1:2] / cnt - mean * mean
    scale = gamma_ref[...] * lax.rsqrt(var + 1e-5)
    shift = beta_ref[...] - mean * scale
    out_ref[0] = jnp.maximum(y_ref[0] * scale + shift, 0.0)


def _bn(y, acc, gamma2, beta2):
    bh = y.shape[0]
    return pl.pallas_call(
        _bn_body,
        grid=(bh, NB),
        in_specs=[
            pl.BlockSpec((1, C_OUT, TN), lambda b, n: (b, 0, n)),
            pl.BlockSpec((C_OUT, 2), lambda b, n: (0, 0)),
            pl.BlockSpec((C_OUT, 1), lambda b, n: (0, 0)),
            pl.BlockSpec((C_OUT, 1), lambda b, n: (0, 0)),
        ],
        out_specs=pl.BlockSpec((1, C_OUT, TN), lambda b, n: (b, 0, n)),
        out_shape=jax.ShapeDtypeStruct((bh, C_OUT, N), jnp.float32),
    )(y, acc, gamma2, beta2)


def kernel(unknown, known, unknow_feats, known_feats, W, b, gamma, beta):
    knownt = jnp.transpose(known, (0, 2, 1))
    table = jnp.transpose(known_feats, (0, 2, 1)).reshape(B * M, C2)
    b2 = b.reshape(C_OUT, 1)
    bh = B // 2
    pts = bh * N

    y_full, accs = None, []
    for h in range(2):
        idx0, idx1, idx2, wts = _knn(unknown, knownt, bh, h * bh)
        g0, g1, g2 = _sc_gather_kernel(pts)(
            table, idx0.reshape(pts), idx1.reshape(pts), idx2.reshape(pts))
        y_full, acc = _mlp(g0, g1, g2, wts, unknow_feats, W, b2,
                           bh, h * bh, y_prev=y_full)
        accs.append(acc)

    acc = sum(accs)
    gamma2 = gamma.reshape(C_OUT, 1)
    beta2 = beta.reshape(C_OUT, 1)
    return _bn(y_full, acc, gamma2, beta2)

# --- scband reference (transcript-rebuilt; emitter-appended) ---
"""Pipeline reference for scband-point-net2-fpmodule-5007931867450 (READ-ONLY COPY).

The authoritative reference and input builder live on the scoring server;
editing this copy changes nothing except your own understanding.
"""

import jax, jax.numpy as jnp
import numpy as np

B, N, M = 8, 8192, 1024
C1, C2 = 64, 128
C_IN, C_OUT = 192, 128


def setup_inputs(seed: int = 0) -> dict:
    key = jax.random.key(seed)
    k1, k2, k3, k4, k5, k6 = jax.random.split(key, 6)
    unknown = jax.random.uniform(k1, (B, N, 3), dtype=jnp.float32)
    known = jax.random.uniform(k2, (B, M, 3), dtype=jnp.float32)
    unknow_feats = jax.random.normal(k3, (B, C1, N), dtype=jnp.float32)
    known_feats = jax.random.normal(k4, (B, C2, M), dtype=jnp.float32)
    W = jax.random.normal(k5, (C_OUT, C_IN), dtype=jnp.float32) * (1.0 / np.sqrt(C_IN))
    b = jnp.zeros((C_OUT,), dtype=jnp.float32)
    gamma = jnp.ones((C_OUT,), dtype=jnp.float32)
    beta = jnp.zeros((C_OUT,), dtype=jnp.float32)
    return {"unknown": unknown, "known": known, "unknow_feats": unknow_feats,
            "known_feats": known_feats, "W": W, "b": b, "gamma": gamma, "beta": beta}


def reference(unknown, known, unknow_feats, known_feats, W, b, gamma, beta):
    # three_nn: squared distances from each unknown point to all known points
    d = jnp.sum((unknown[:, :, None, :] - known[:, None, :, :]) ** 2, axis=-1)  # (B, N, M)
    neg_d, idx = jax.lax.top_k(-d, 3)  # (B, N, 3)
    dist = -neg_d
    dist_recip = 1.0 / (dist + 1e-8)
    norm = jnp.sum(dist_recip, axis=2, keepdims=True)
    weight = dist_recip / norm  # (B, N, 3)
    # three_interpolate: gather known_feats (B, C2, M) at idx -> (B, C2, N, 3)
    gathered = jnp.take_along_axis(known_feats[:, :, None, :], idx[:, None, :, :], axis=3)
    interpolated_feats = jnp.sum(gathered * weight[:, None, :, :], axis=3)  # (B, C2, N)
    new_features = jnp.concatenate([interpolated_feats, unknow_feats], axis=1)  # (B, C1+C2, N)
    x = new_features[:, :, :, None]  # (B, C_IN, N, 1)
    # SharedMLP layer: 1x1 Conv2d + BatchNorm2d (training-mode batch stats) + ReLU
    y = jnp.einsum('bcnk,oc->bonk', x, W) + b[None, :, None, None]
    mean = jnp.mean(y, axis=(0, 2, 3), keepdims=True)
    var = jnp.var(y, axis=(0, 2, 3), keepdims=True)
    y = (y - mean) / jnp.sqrt(var + 1e-5) * gamma[None, :, None, None] + beta[None, :, None, None]
    y = jax.nn.relu(y)
    return y[:, :, :, 0]  # (B, C_OUT, N)

if __name__ == "__main__":
    import jax
    _d = setup_inputs()
    print(jax.jit(kernel)(*tuple(_d.values())))

</pallas_src>

<mosaic_0001>
#map = affine_map<(d0, d1) -> (0, 0)>
#map1 = affine_map<(d0, d1) -> (0)>
module attributes {stable_mosaic.version = 14 : i64} {
  func.func @body_fn(%arg0: i32, %arg1: i32, %arg2: memref<8192x128xf32, #tpu.memory_space<hbm>>, %arg3: memref<32768xi32, #tpu.memory_space<hbm>>, %arg4: memref<32768xi32, #tpu.memory_space<hbm>>, %arg5: memref<32768xi32, #tpu.memory_space<hbm>>, %arg6: memref<32768x128xf32, #tpu.memory_space<hbm>>, %arg7: memref<32768x128xf32, #tpu.memory_space<hbm>>, %arg8: memref<32768x128xf32, #tpu.memory_space<hbm>>, %arg9: memref<128xi32, #tpu.memory_space<vmem>>, %arg10: memref<128xi32, #tpu.memory_space<vmem>>, %arg11: memref<128xi32, #tpu.memory_space<vmem>>, %arg12: memref<128x128xf32, #tpu.memory_space<vmem>>, %arg13: memref<128x128xf32, #tpu.memory_space<vmem>>, %arg14: memref<128x128xf32, #tpu.memory_space<vmem>>, %arg15: memref<!tpu.dma_semaphore, #tpu.memory_space<semaphore_mem>>) attributes {dimension_semantics = [#tpu.dimension_semantics<core_parallel>, #tpu.dimension_semantics<subcore_parallel>], iteration_bounds = array<i64: 2, 16>, scalar_prefetch = 0 : i64, scratch_operands = 7 : i64, tpu.core_type = #tpu.core_type<sc_vector_subcore>, window_params = [{transform_indices = #map}, {transform_indices = #map1}, {transform_indices = #map1}, {transform_indices = #map1}, {transform_indices = #map}, {transform_indices = #map}, {transform_indices = #map}]} {
    %mul3A = arith.constant 2 : i32
    %mul3A_0 = arith.muli %arg1, %mul3A : i32
    %add3A = arith.addi %mul3A_0, %arg0 : i32
    %mul3A_1 = arith.constant 1024 : i32
    %mul3A_2 = arith.muli %add3A, %mul3A_1 : i32
    %scan3A = arith.constant 0 : i32
    %scan3A_3 = arith.constant 0 : i32
    %scan3A_4 = arith.constant 8 : i32
    %scan3A_5 = arith.addi %scan3A_3, %scan3A_4 : i32
    %scan3A_6 = arith.constant 1 : i32
    scf.for %scan3A_8 = %scan3A_3 to %scan3A_5 step %scan3A_6  : i32 {
      %mul3A_9 = arith.constant 128 : i32
      %mul3A_10 = arith.muli %scan3A_8, %mul3A_9 : i32
      %add3A_11 = arith.addi %mul3A_2, %mul3A_10 : i32
      "tpu.region"() ({
        %run_scoped3A = tpu.sem_alloc : memref<!tpu.dma_semaphore, #tpu.memory_space<semaphore_mem>>
        %dma_start3A_28 = tpu.memref_slice %arg3[%add3A_11] : memref<32768xi32, #tpu.memory_space<hbm>> -> memref<128xi32, #tpu.memory_space<hbm>>
        %dma_start3A_29 = tpu.memref_slice %arg3[%add3A_11] : memref<32768xi32, #tpu.memory_space<hbm>> -> memref<128xi32, #tpu.memory_space<hbm>>
        tpu.enqueue_dma source(%dma_start3A_29 : memref<128xi32, #tpu.memory_space<hbm>>) target(%arg9 : memref<128xi32, #tpu.memory_space<vmem>>) target_semaphore(%run_scoped3A : memref<!tpu.dma_semaphore, #tpu.memory_space<semaphore_mem>>)
        %dma_wait3A_30 = tpu.memref_slice %arg3[%add3A_11] : memref<32768xi32, #tpu.memory_space<hbm>> -> memref<128xi32, #tpu.memory_space<hbm>>
        %dma_wait3A_31 = tpu.memref_slice %arg3[%add3A_11] : memref<32768xi32, #tpu.memory_space<hbm>> -> memref<128xi32, #tpu.memory_space<hbm>>
        tpu.wait_dma2 semaphore(%run_scoped3A : memref<!tpu.dma_semaphore, #tpu.memory_space<semaphore_mem>>) src(%dma_wait3A_31 : memref<128xi32, #tpu.memory_space<hbm>>) dst(%arg9 : memref<128xi32, #tpu.memory_space<vmem>>)
        tpu.yield
      }) : () -> ()
      "tpu.region"() ({
        %run_scoped3A = tpu.sem_alloc : memref<!tpu.dma_semaphore, #tpu.memory_space<semaphore_mem>>
        %dma_start3A_28 = tpu.memref_slice %arg4[%add3A_11] : memref<32768xi32, #tpu.memory_space<hbm>> -> memref<128xi32, #tpu.memory_space<hbm>>
        %dma_start3A_29 = tpu.memref_slice %arg4[%add3A_11] : memref<32768xi32, #tpu.memory_space<hbm>> -> memref<128xi32, #tpu.memory_space<hbm>>
        tpu.enqueue_dma source(%dma_start3A_29 : memref<128xi32, #tpu.memory_space<hbm>>) target(%arg10 : memref<128xi32, #tpu.memory_space<vmem>>) target_semaphore(%run_scoped3A : memref<!tpu.dma_semaphore, #tpu.memory_space<semaphore_mem>>)
        %dma_wait3A_30 = tpu.memref_slice %arg4[%add3A_11] : memref<32768xi32, #tpu.memory_space<hbm>> -> memref<128xi32, #tpu.memory_space<hbm>>
        %dma_wait3A_31 = tpu.memref_slice %arg4[%add3A_11] : memref<32768xi32, #tpu.memory_space<hbm>> -> memref<128xi32, #tpu.memory_space<hbm>>
        tpu.wait_dma2 semaphore(%run_scoped3A : memref<!tpu.dma_semaphore, #tpu.memory_space<semaphore_mem>>) src(%dma_wait3A_31 : memref<128xi32, #tpu.memory_space<hbm>>) dst(%arg10 : memref<128xi32, #tpu.memory_space<vmem>>)
        tpu.yield
      }) : () -> ()
      "tpu.region"() ({
        %run_scoped3A = tpu.sem_alloc : memref<!tpu.dma_semaphore, #tpu.memory_space<semaphore_mem>>
        %dma_start3A_28 = tpu.memref_slice %arg5[%add3A_11] : memref<32768xi32, #tpu.memory_space<hbm>> -> memref<128xi32, #tpu.memory_space<hbm>>
        %dma_start3A_29 = tpu.memref_slice %arg5[%add3A_11] : memref<32768xi32, #tpu.memory_space<hbm>> -> memref<128xi32, #tpu.memory_space<hbm>>
        tpu.enqueue_dma source(%dma_start3A_29 : memref<128xi32, #tpu.memory_space<hbm>>) target(%arg11 : memref<128xi32, #tpu.memory_space<vmem>>) target_semaphore(%run_scoped3A : memref<!tpu.dma_semaphore, #tpu.memory_space<semaphore_mem>>)
        %dma_wait3A_30 = tpu.memref_slice %arg5[%add3A_11] : memref<32768xi32, #tpu.memory_space<hbm>> -> memref<128xi32, #tpu.memory_space<hbm>>
        %dma_wait3A_31 = tpu.memref_slice %arg5[%add3A_11] : memref<32768xi32, #tpu.memory_space<hbm>> -> memref<128xi32, #tpu.memory_space<hbm>>
        tpu.wait_dma2 semaphore(%run_scoped3A : memref<!tpu.dma_semaphore, #tpu.memory_space<semaphore_mem>>) src(%dma_wait3A_31 : memref<128xi32, #tpu.memory_space<hbm>>) dst(%arg11 : memref<128xi32, #tpu.memory_space<vmem>>)
        tpu.yield
      }) : () -> ()
      %dma_start3A = arith.constant 0 : i32
      %dma_start3A_12 = arith.constant 0 : i32
      %dma_start3A_13 = tpu.memref_slice %arg2[%dma_start3A, %dma_start3A_12] : memref<8192x128xf32, #tpu.memory_space<hbm>> -> memref<8192x128xf32, #tpu.memory_space<hbm>>
      tpu.enqueue_indirect_dma source(%dma_start3A_13 : memref<8192x128xf32, #tpu.memory_space<hbm>>) target(%arg12 : memref<128x128xf32, #tpu.memory_space<vmem>>) offsets(%arg9 : memref<128xi32, #tpu.memory_space<vmem>>) semaphore(%arg15 : memref<!tpu.dma_semaphore, #tpu.memory_space<semaphore_mem>>)
      %dma_start3A_14 = arith.constant 0 : i32
      %dma_start3A_15 = arith.constant 0 : i32
      %dma_start3A_16 = tpu.memref_slice %arg2[%dma_start3A_14, %dma_start3A_15] : memref<8192x128xf32, #tpu.memory_space<hbm>> -> memref<8192x128xf32, #tpu.memory_space<hbm>>
      tpu.enqueue_indirect_dma source(%dma_start3A_16 : memref<8192x128xf32, #tpu.memory_space<hbm>>) target(%arg13 : memref<128x128xf32, #tpu.memory_space<vmem>>) offsets(%arg10 : memref<128xi32, #tpu.memory_space<vmem>>) semaphore(%arg15 : memref<!tpu.dma_semaphore, #tpu.memory_space<semaphore_mem>>)
      %dma_start3A_17 = arith.constant 0 : i32
      %dma_start3A_18 = arith.constant 0 : i32
      %dma_start3A_19 = tpu.memref_slice %arg2[%dma_start3A_17, %dma_start3A_18] : memref<8192x128xf32, #tpu.memory_space<hbm>> -> memref<8192x128xf32, #tpu.memory_space<hbm>>
      tpu.enqueue_indirect_dma source(%dma_start3A_19 : memref<8192x128xf32, #tpu.memory_space<hbm>>) target(%arg14 : memref<128x128xf32, #tpu.memory_space<vmem>>) offsets(%arg11 : memref<128xi32, #tpu.memory_space<vmem>>) semaphore(%arg15 : memref<!tpu.dma_semaphore, #tpu.memory_space<semaphore_mem>>)
      %dma_wait3A = arith.constant 0 : i32
      %dma_wait3A_20 = arith.constant 0 : i32
      %dma_wait3A_21 = tpu.memref_slice %arg2[%dma_wait3A, %dma_wait3A_20] : memref<8192x128xf32, #tpu.memory_space<hbm>> -> memref<8192x128xf32, #tpu.memory_space<hbm>>
      tpu.wait_indirect_dma semaphore(%arg15 : memref<!tpu.dma_semaphore, #tpu.memory_space<semaphore_mem>>) src(%dma_wait3A_21 : memref<8192x128xf32, #tpu.memory_space<hbm>>) dst(%arg12 : memref<128x128xf32, #tpu.memory_space<vmem>>)
      %dma_wait3A_22 = arith.constant 0 : i32
      %dma_wait3A_23 = arith.constant 0 : i32
      %dma_wait3A_24 = tpu.memref_slice %arg2[%dma_wait3A_22, %dma_wait3A_23] : memref<8192x128xf32, #tpu.memory_space<hbm>> -> memref<8192x128xf32, #tpu.memory_space<hbm>>
      tpu.wait_indirect_dma semaphore(%arg15 : memref<!tpu.dma_semaphore, #tpu.memory_space<semaphore_mem>>) src(%dma_wait3A_24 : memref<8192x128xf32, #tpu.memory_space<hbm>>) dst(%arg13 : memref<128x128xf32, #tpu.memory_space<vmem>>)
      %dma_wait3A_25 = arith.constant 0 : i32
      %dma_wait3A_26 = arith.constant 0 : i32
      %dma_wait3A_27 = tpu.memref_slice %arg2[%dma_wait3A_25, %dma_wait3A_26] : memref<8192x128xf32, #tpu.memory_space<hbm>> -> memref<8192x128xf32, #tpu.memory_space<hbm>>
      tpu.wait_indirect_dma semaphore(%arg15 : memref<!tpu.dma_semaphore, #tpu.memory_space<semaphore_mem>>) src(%dma_wait3A_27 : memref<8192x128xf32, #tpu.memory_space<hbm>>) dst(%arg14 : memref<128x128xf32, #tpu.memory_space<vmem>>)
      "tpu.region"() ({
        %run_scoped3A = tpu.sem_alloc : memref<!tpu.dma_semaphore, #tpu.memory_space<semaphore_mem>>
        %dma_start3A_28 = arith.constant 0 : i32
        %dma_start3A_29 = tpu.memref_slice %arg6[%add3A_11, %dma_start3A_28] : memref<32768x128xf32, #tpu.memory_space<hbm>> -> memref<128x128xf32, #tpu.memory_space<hbm>>
        %dma_start3A_30 = arith.constant 0 : i32
        %dma_start3A_31 = tpu.memref_slice %arg6[%add3A_11, %dma_start3A_30] : memref<32768x128xf32, #tpu.memory_space<hbm>> -> memref<128x128xf32, #tpu.memory_space<hbm>>
        tpu.enqueue_dma source(%arg12 : memref<128x128xf32, #tpu.memory_space<vmem>>) target(%dma_start3A_31 : memref<128x128xf32, #tpu.memory_space<hbm>>) target_semaphore(%run_scoped3A : memref<!tpu.dma_semaphore, #tpu.memory_space<semaphore_mem>>)
        %dma_wait3A_32 = arith.constant 0 : i32
        %dma_wait3A_33 = tpu.memref_slice %arg6[%add3A_11, %dma_wait3A_32] : memref<32768x128xf32, #tpu.memory_space<hbm>> -> memref<128x128xf32, #tpu.memory_space<hbm>>
        %dma_wait3A_34 = arith.constant 0 : i32
        %dma_wait3A_35 = tpu.memref_slice %arg6[%add3A_11, %dma_wait3A_34] : memref<32768x128xf32, #tpu.memory_space<hbm>> -> memref<128x128xf32, #tpu.memory_space<hbm>>
        tpu.wait_dma2 semaphore(%run_scoped3A : memref<!tpu.dma_semaphore, #tpu.memory_space<semaphore_mem>>) src(%arg12 : memref<128x128xf32, #tpu.memory_space<vmem>>) dst(%dma_wait3A_35 : memref<128x128xf32, #tpu.memory_space<hbm>>)
        tpu.yield
      }) : () -> ()
      "tpu.region"() ({
        %run_scoped3A = tpu.sem_alloc : memref<!tpu.dma_semaphore, #tpu.memory_space<semaphore_mem>>
        %dma_start3A_28 = arith.constant 0 : i32
        %dma_start3A_29 = tpu.memref_slice %arg7[%add3A_11, %dma_start3A_28] : memref<32768x128xf32, #tpu.memory_space<hbm>> -> memref<128x128xf32, #tpu.memory_space<hbm>>
        %dma_start3A_30 = arith.constant 0 : i32
        %dma_start3A_31 = tpu.memref_slice %arg7[%add3A_11, %dma_start3A_30] : memref<32768x128xf32, #tpu.memory_space<hbm>> -> memref<128x128xf32, #tpu.memory_space<hbm>>
        tpu.enqueue_dma source(%arg13 : memref<128x128xf32, #tpu.memory_space<vmem>>) target(%dma_start3A_31 : memref<128x128xf32, #tpu.memory_space<hbm>>) target_semaphore(%run_scoped3A : memref<!tpu.dma_semaphore, #tpu.memory_space<semaphore_mem>>)
        %dma_wait3A_32 = arith.constant 0 : i32
        %dma_wait3A_33 = tpu.memref_slice %arg7[%add3A_11, %dma_wait3A_32] : memref<32768x128xf32, #tpu.memory_space<hbm>> -> memref<128x128xf32, #tpu.memory_space<hbm>>
        %dma_wait3A_34 = arith.constant 0 : i32
        %dma_wait3A_35 = tpu.memref_slice %arg7[%add3A_11, %dma_wait3A_34] : memref<32768x128xf32, #tpu.memory_space<hbm>> -> memref<128x128xf32, #tpu.memory_space<hbm>>
        tpu.wait_dma2 semaphore(%run_scoped3A : memref<!tpu.dma_semaphore, #tpu.memory_space<semaphore_mem>>) src(%arg13 : memref<128x128xf32, #tpu.memory_space<vmem>>) dst(%dma_wait3A_35 : memref<128x128xf32, #tpu.memory_space<hbm>>)
        tpu.yield
      }) : () -> ()
      "tpu.region"() ({
        %run_scoped3A = tpu.sem_alloc : memref<!tpu.dma_semaphore, #tpu.memory_space<semaphore_mem>>
        %dma_start3A_28 = arith.constant 0 : i32
        %dma_start3A_29 = tpu.memref_slice %arg8[%add3A_11, %dma_start3A_28] : memref<32768x128xf32, #tpu.memory_space<hbm>> -> memref<128x128xf32, #tpu.memory_space<hbm>>
        %dma_start3A_30 = arith.constant 0 : i32
        %dma_start3A_31 = tpu.memref_slice %arg8[%add3A_11, %dma_start3A_30] : memref<32768x128xf32, #tpu.memory_space<hbm>> -> memref<128x128xf32, #tpu.memory_space<hbm>>
        tpu.enqueue_dma source(%arg14 : memref<128x128xf32, #tpu.memory_space<vmem>>) target(%dma_start3A_31 : memref<128x128xf32, #tpu.memory_space<hbm>>) target_semaphore(%run_scoped3A : memref<!tpu.dma_semaphore, #tpu.memory_space<semaphore_mem>>)
        %dma_wait3A_32 = arith.constant 0 : i32
        %dma_wait3A_33 = tpu.memref_slice %arg8[%add3A_11, %dma_wait3A_32] : memref<32768x128xf32, #tpu.memory_space<hbm>> -> memref<128x128xf32, #tpu.memory_space<hbm>>
        %dma_wait3A_34 = arith.constant 0 : i32
        %dma_wait3A_35 = tpu.memref_slice %arg8[%add3A_11, %dma_wait3A_34] : memref<32768x128xf32, #tpu.memory_space<hbm>> -> memref<128x128xf32, #tpu.memory_space<hbm>>
        tpu.wait_dma2 semaphore(%run_scoped3A : memref<!tpu.dma_semaphore, #tpu.memory_space<semaphore_mem>>) src(%arg14 : memref<128x128xf32, #tpu.memory_space<vmem>>) dst(%dma_wait3A_35 : memref<128x128xf32, #tpu.memory_space<hbm>>)
        tpu.yield
      }) : () -> ()
    }
    %scan3A_7 = arith.constant 8 : i32
    return
  }
}

#map = affine_map<(d0, d1) -> (0, 0)>
#map1 = affine_map<(d0, d1) -> (0)>
module attributes {stable_mosaic.version = 14 : i64} {
  func.func @body_fn(%arg0: i32, %arg1: i32, %arg2: memref<8192x128xf32, #tpu.memory_space<hbm>>, %arg3: memref<32768xi32, #tpu.memory_space<hbm>>, %arg4: memref<32768xi32, #tpu.memory_space<hbm>>, %arg5: memref<32768xi32, #tpu.memory_space<hbm>>, %arg6: memref<32768x128xf32, #tpu.memory_space<hbm>>, %arg7: memref<32768x128xf32, #tpu.memory_space<hbm>>, %arg8: memref<32768x128xf32, #tpu.memory_space<hbm>>, %arg9: memref<128xi32, #tpu.memory_space<vmem>>, %arg10: memref<128xi32, #tpu.memory_space<vmem>>, %arg11: memref<128xi32, #tpu.memory_space<vmem>>, %arg12: memref<128x128xf32, #tpu.memory_space<vmem>>, %arg13: memref<128x128xf32, #tpu.memory_space<vmem>>, %arg14: memref<128x128xf32, #tpu.memory_space<vmem>>, %arg15: memref<!tpu.dma_semaphore, #tpu.memory_space<semaphore_mem>>) attributes {dimension_semantics = [#tpu.dimension_semantics<core_parallel>, #tpu.dimension_semantics<subcore_parallel>], iteration_bounds = array<i64: 2, 16>, scalar_prefetch = 0 : i64, scratch_operands = 7 : i64, tpu.core_type = #tpu.core_type<sc_vector_subcore>, window_params = [{transform_indices = #map}, {transform_indices = #map1}, {transform_indices = #map1}, {transform_indices = #map1}, {transform_indices = #map}, {transform_indices = #map}, {transform_indices = #map}]} {
    %mul3A = arith.constant 2 : i32
    %mul3A_0 = arith.muli %arg1, %mul3A : i32
    %add3A = arith.addi %mul3A_0, %arg0 : i32
    %mul3A_1 = arith.constant 1024 : i32
    %mul3A_2 = arith.muli %add3A, %mul3A_1 : i32
    %scan3A = arith.constant 0 : i32
    %scan3A_3 = arith.constant 0 : i32
    %scan3A_4 = arith.constant 8 : i32
    %scan3A_5 = arith.addi %scan3A_3, %scan3A_4 : i32
    %scan3A_6 = arith.constant 1 : i32
    scf.for %scan3A_8 = %scan3A_3 to %scan3A_5 step %scan3A_6  : i32 {
      %mul3A_9 = arith.constant 128 : i32
      %mul3A_10 = arith.muli %scan3A_8, %mul3A_9 : i32
      %add3A_11 = arith.addi %mul3A_2, %mul3A_10 : i32
      "tpu.region"() ({
        %run_scoped3A = tpu.sem_alloc : memref<!tpu.dma_semaphore, #tpu.memory_space<semaphore_mem>>
        %dma_start3A_28 = tpu.memref_slice %arg3[%add3A_11] : memref<32768xi32, #tpu.memory_space<hbm>> -> memref<128xi32, #tpu.memory_space<hbm>>
        %dma_start3A_29 = tpu.memref_slice %arg3[%add3A_11] : memref<32768xi32, #tpu.memory_space<hbm>> -> memref<128xi32, #tpu.memory_space<hbm>>
        tpu.enqueue_dma source(%dma_start3A_29 : memref<128xi32, #tpu.memory_space<hbm>>) target(%arg9 : memref<128xi32, #tpu.memory_space<vmem>>) target_semaphore(%run_scoped3A : memref<!tpu.dma_semaphore, #tpu.memory_space<semaphore_mem>>)
        %dma_wait3A_30 = tpu.memref_slice %arg3[%add3A_11] : memref<32768xi32, #tpu.memory_space<hbm>> -> memref<128xi32, #tpu.memory_space<hbm>>
        %dma_wait3A_31 = tpu.memref_slice %arg3[%add3A_11] : memref<32768xi32, #tpu.memory_space<hbm>> -> memref<128xi32, #tpu.memory_space<hbm>>
        tpu.wait_dma2 semaphore(%run_scoped3A : memref<!tpu.dma_semaphore, #tpu.memory_space<semaphore_mem>>) src(%dma_wait3A_31 : memref<128xi32, #tpu.memory_space<hbm>>) dst(%arg9 : memref<128xi32, #tpu.memory_space<vmem>>)
        tpu.yield
      }) : () -> ()
      "tpu.region"() ({
        %run_scoped3A = tpu.sem_alloc : memref<!tpu.dma_semaphore, #tpu.memory_space<semaphore_mem>>
        %dma_start3A_28 = tpu.memref_slice %arg4[%add3A_11] : memref<32768xi32, #tpu.memory_space<hbm>> -> memref<128xi32, #tpu.memory_space<hbm>>
        %dma_start3A_29 = tpu.memref_slice %arg4[%add3A_11] : memref<32768xi32, #tpu.memory_space<hbm>> -> memref<128xi32, #tpu.memory_space<hbm>>
        tpu.enqueue_dma source(%dma_start3A_29 : memref<128xi32, #tpu.memory_space<hbm>>) target(%arg10 : memref<128xi32, #tpu.memory_space<vmem>>) target_semaphore(%run_scoped3A : memref<!tpu.dma_semaphore, #tpu.memory_space<semaphore_mem>>)
        %dma_wait3A_30 = tpu.memref_slice %arg4[%add3A_11] : memref<32768xi32, #tpu.memory_space<hbm>> -> memref<128xi32, #tpu.memory_space<hbm>>
        %dma_wait3A_31 = tpu.memref_slice %arg4[%add3A_11] : memref<32768xi32, #tpu.memory_space<hbm>> -> memref<128xi32, #tpu.memory_space<hbm>>
        tpu.wait_dma2 semaphore(%run_scoped3A : memref<!tpu.dma_semaphore, #tpu.memory_space<semaphore_mem>>) src(%dma_wait3A_31 : memref<128xi32, #tpu.memory_space<hbm>>) dst(%arg10 : memref<128xi32, #tpu.memory_space<vmem>>)
        tpu.yield
      }) : () -> ()
      "tpu.region"() ({
        %run_scoped3A = tpu.sem_alloc : memref<!tpu.dma_semaphore, #tpu.memory_space<semaphore_mem>>
        %dma_start3A_28 = tpu.memref_slice %arg5[%add3A_11] : memref<32768xi32, #tpu.memory_space<hbm>> -> memref<128xi32, #tpu.memory_space<hbm>>
        %dma_start3A_29 = tpu.memref_slice %arg5[%add3A_11] : memref<32768xi32, #tpu.memory_space<hbm>> -> memref<128xi32, #tpu.memory_space<hbm>>
        tpu.enqueue_dma source(%dma_start3A_29 : memref<128xi32, #tpu.memory_space<hbm>>) target(%arg11 : memref<128xi32, #tpu.memory_space<vmem>>) target_semaphore(%run_scoped3A : memref<!tpu.dma_semaphore, #tpu.memory_space<semaphore_mem>>)
        %dma_wait3A_30 = tpu.memref_slice %arg5[%add3A_11] : memref<32768xi32, #tpu.memory_space<hbm>> -> memref<128xi32, #tpu.memory_space<hbm>>
        %dma_wait3A_31 = tpu.memref_slice %arg5[%add3A_11] : memref<32768xi32, #tpu.memory_space<hbm>> -> memref<128xi32, #tpu.memory_space<hbm>>
        tpu.wait_dma2 semaphore(%run_scoped3A : memref<!tpu.dma_semaphore, #tpu.memory_space<semaphore_mem>>) src(%dma_wait3A_31 : memref<128xi32, #tpu.memory_space<hbm>>) dst(%arg11 : memref<128xi32, #tpu.memory_space<vmem>>)
        tpu.yield
      }) : () -> ()
      %dma_start3A = arith.constant 0 : i32
      %dma_start3A_12 = arith.constant 0 : i32
      %dma_start3A_13 = tpu.memref_slice %arg2[%dma_start3A, %dma_start3A_12] : memref<8192x128xf32, #tpu.memory_space<hbm>> -> memref<8192x128xf32, #tpu.memory_space<hbm>>
      tpu.enqueue_indirect_dma source(%dma_start3A_13 : memref<8192x128xf32, #tpu.memory_space<hbm>>) target(%arg12 : memref<128x128xf32, #tpu.memory_space<vmem>>) offsets(%arg9 : memref<128xi32, #tpu.memory_space<vmem>>) semaphore(%arg15 : memref<!tpu.dma_semaphore, #tpu.memory_space<semaphore_mem>>)
      %dma_start3A_14 = arith.constant 0 : i32
      %dma_start3A_15 = arith.constant 0 : i32
      %dma_start3A_16 = tpu.memref_slice %arg2[%dma_start3A_14, %dma_start3A_15] : memref<8192x128xf32, #tpu.memory_space<hbm>> -> memref<8192x128xf32, #tpu.memory_space<hbm>>
      tpu.enqueue_indirect_dma source(%dma_start3A_16 : memref<8192x128xf32, #tpu.memory_space<hbm>>) target(%arg13 : memref<128x128xf32, #tpu.memory_space<vmem>>) offsets(%arg10 : memref<128xi32, #tpu.memory_space<vmem>>) semaphore(%arg15 : memref<!tpu.dma_semaphore, #tpu.memory_space<semaphore_mem>>)
      %dma_start3A_17 = arith.constant 0 : i32
      %dma_start3A_18 = arith.constant 0 : i32
      %dma_start3A_19 = tpu.memref_slice %arg2[%dma_start3A_17, %dma_start3A_18] : memref<8192x128xf32, #tpu.memory_space<hbm>> -> memref<8192x128xf32, #tpu.memory_space<hbm>>
      tpu.enqueue_indirect_dma source(%dma_start3A_19 : memref<8192x128xf32, #tpu.memory_space<hbm>>) target(%arg14 : memref<128x128xf32, #tpu.memory_space<vmem>>) offsets(%arg11 : memref<128xi32, #tpu.memory_space<vmem>>) semaphore(%arg15 : memref<!tpu.dma_semaphore, #tpu.memory_space<semaphore_mem>>)
      %dma_wait3A = arith.constant 0 : i32
      %dma_wait3A_20 = arith.constant 0 : i32
      %dma_wait3A_21 = tpu.memref_slice %arg2[%dma_wait3A, %dma_wait3A_20] : memref<8192x128xf32, #tpu.memory_space<hbm>> -> memref<8192x128xf32, #tpu.memory_space<hbm>>
      tpu.wait_indirect_dma semaphore(%arg15 : memref<!tpu.dma_semaphore, #tpu.memory_space<semaphore_mem>>) src(%dma_wait3A_21 : memref<8192x128xf32, #tpu.memory_space<hbm>>) dst(%arg12 : memref<128x128xf32, #tpu.memory_space<vmem>>)
      %dma_wait3A_22 = arith.constant 0 : i32
      %dma_wait3A_23 = arith.constant 0 : i32
      %dma_wait3A_24 = tpu.memref_slice %arg2[%dma_wait3A_22, %dma_wait3A_23] : memref<8192x128xf32, #tpu.memory_space<hbm>> -> memref<8192x128xf32, #tpu.memory_space<hbm>>
      tpu.wait_indirect_dma semaphore(%arg15 : memref<!tpu.dma_semaphore, #tpu.memory_space<semaphore_mem>>) src(%dma_wait3A_24 : memref<8192x128xf32, #tpu.memory_space<hbm>>) dst(%arg13 : memref<128x128xf32, #tpu.memory_space<vmem>>)
      %dma_wait3A_25 = arith.constant 0 : i32
      %dma_wait3A_26 = arith.constant 0 : i32
      %dma_wait3A_27 = tpu.memref_slice %arg2[%dma_wait3A_25, %dma_wait3A_26] : memref<8192x128xf32, #tpu.memory_space<hbm>> -> memref<8192x128xf32, #tpu.memory_space<hbm>>
      tpu.wait_indirect_dma semaphore(%arg15 : memref<!tpu.dma_semaphore, #tpu.memory_space<semaphore_mem>>) src(%dma_wait3A_27 : memref<8192x128xf32, #tpu.memory_space<hbm>>) dst(%arg14 : memref<128x128xf32, #tpu.memory_space<vmem>>)
      "tpu.region"() ({
        %run_scoped3A = tpu.sem_alloc : memref<!tpu.dma_semaphore, #tpu.memory_space<semaphore_mem>>
        %dma_start3A_28 = arith.constant 0 : i32
        %dma_start3A_29 = tpu.memref_slice %arg6[%add3A_11, %dma_start3A_28] : memref<32768x128xf32, #tpu.memory_space<hbm>> -> memref<128x128xf32, #tpu.memory_space<hbm>>
        %dma_start3A_30 = arith.constant 0 : i32
        %dma_start3A_31 = tpu.memref_slice %arg6[%add3A_11, %dma_start3A_30] : memref<32768x128xf32, #tpu.memory_space<hbm>> -> memref<128x128xf32, #tpu.memory_space<hbm>>
        tpu.enqueue_dma source(%arg12 : memref<128x128xf32, #tpu.memory_space<vmem>>) target(%dma_start3A_31 : memref<128x128xf32, #tpu.memory_space<hbm>>) target_semaphore(%run_scoped3A : memref<!tpu.dma_semaphore, #tpu.memory_space<semaphore_mem>>)
        %dma_wait3A_32 = arith.constant 0 : i32
        %dma_wait3A_33 = tpu.memref_slice %arg6[%add3A_11, %dma_wait3A_32] : memref<32768x128xf32, #tpu.memory_space<hbm>> -> memref<128x128xf32, #tpu.memory_space<hbm>>
        %dma_wait3A_34 = arith.constant 0 : i32
        %dma_wait3A_35 = tpu.memref_slice %arg6[%add3A_11, %dma_wait3A_34] : memref<32768x128xf32, #tpu.memory_space<hbm>> -> memref<128x128xf32, #tpu.memory_space<hbm>>
        tpu.wait_dma2 semaphore(%run_scoped3A : memref<!tpu.dma_semaphore, #tpu.memory_space<semaphore_mem>>) src(%arg12 : memref<128x128xf32, #tpu.memory_space<vmem>>) dst(%dma_wait3A_35 : memref<128x128xf32, #tpu.memory_space<hbm>>)
        tpu.yield
      }) : () -> ()
      "tpu.region"() ({
        %run_scoped3A = tpu.sem_alloc : memref<!tpu.dma_semaphore, #tpu.memory_space<semaphore_mem>>
        %dma_start3A_28 = arith.constant 0 : i32
        %dma_start3A_29 = tpu.memref_slice %arg7[%add3A_11, %dma_start3A_28] : memref<32768x128xf32, #tpu.memory_space<hbm>> -> memref<128x128xf32, #tpu.memory_space<hbm>>
        %dma_start3A_30 = arith.constant 0 : i32
        %dma_start3A_31 = tpu.memref_slice %arg7[%add3A_11, %dma_start3A_30] : memref<32768x128xf32, #tpu.memory_space<hbm>> -> memref<128x128xf32, #tpu.memory_space<hbm>>
        tpu.enqueue_dma source(%arg13 : memref<128x128xf32, #tpu.memory_space<vmem>>) target(%dma_start3A_31 : memref<128x128xf32, #tpu.memory_space<hbm>>) target_semaphore(%run_scoped3A : memref<!tpu.dma_semaphore, #tpu.memory_space<semaphore_mem>>)
        %dma_wait3A_32 = arith.constant 0 : i32
        %dma_wait3A_33 = tpu.memref_slice %arg7[%add3A_11, %dma_wait3A_32] : memref<32768x128xf32, #tpu.memory_space<hbm>> -> memref<128x128xf32, #tpu.memory_space<hbm>>
        %dma_wait3A_34 = arith.constant 0 : i32
        %dma_wait3A_35 = tpu.memref_slice %arg7[%add3A_11, %dma_wait3A_34] : memref<32768x128xf32, #tpu.memory_space<hbm>> -> memref<128x128xf32, #tpu.memory_space<hbm>>
        tpu.wait_dma2 semaphore(%run_scoped3A : memref<!tpu.dma_semaphore, #tpu.memory_space<semaphore_mem>>) src(%arg13 : memref<128x128xf32, #tpu.memory_space<vmem>>) dst(%dma_wait3A_35 : memref<128x128xf32, #tpu.memory_space<hbm>>)
        tpu.yield
      }) : () -> ()
      "tpu.region"() ({
        %run_scoped3A = tpu.sem_alloc : memref<!tpu.dma_semaphore, #tpu.memory_space<semaphore_mem>>
        %dma_start3A_28 = arith.constant 0 : i32
        %dma_start3A_29 = tpu.memref_slice %arg8[%add3A_11, %dma_start3A_28] : memref<32768x128xf32, #tpu.memory_space<hbm>> -> memref<128x128xf32, #tpu.memory_space<hbm>>
        %dma_start3A_30 = arith.constant 0 : i32
        %dma_start3A_31 = tpu.memref_slice %arg8[%add3A_11, %dma_start3A_30] : memref<32768x128xf32, #tpu.memory_space<hbm>> -> memref<128x128xf32, #tpu.memory_space<hbm>>
        tpu.enqueue_dma source(%arg14 : memref<128x128xf32, #tpu.memory_space<vmem>>) target(%dma_start3A_31 : memref<128x128xf32, #tpu.memory_space<hbm>>) target_semaphore(%run_scoped3A : memref<!tpu.dma_semaphore, #tpu.memory_space<semaphore_mem>>)
        %dma_wait3A_32 = arith.constant 0 : i32
        %dma_wait3A_33 = tpu.memref_slice %arg8[%add3A_11, %dma_wait3A_32] : memref<32768x128xf32, #tpu.memory_space<hbm>> -> memref<128x128xf32, #tpu.memory_space<hbm>>
        %dma_wait3A_34 = arith.constant 0 : i32
        %dma_wait3A_35 = tpu.memref_slice %arg8[%add3A_11, %dma_wait3A_34] : memref<32768x128xf32, #tpu.memory_space<hbm>> -> memref<128x128xf32, #tpu.memory_space<hbm>>
        tpu.wait_dma2 semaphore(%run_scoped3A : memref<!tpu.dma_semaphore, #tpu.memory_space<semaphore_mem>>) src(%arg14 : memref<128x128xf32, #tpu.memory_space<vmem>>) dst(%dma_wait3A_35 : memref<128x128xf32, #tpu.memory_space<hbm>>)
        tpu.yield
      }) : () -> ()
    }
    %scan3A_7 = arith.constant 8 : i32
    return
  }
}

module attributes {stable_mosaic.version = 14 : i64} {
  func.func @_knn_body(%arg0: i32, %arg1: i32, %arg2: memref<1x4096x3xf32, #tpu.memory_space<vmem>>, %arg3: memref<1x3x1024xf32, #tpu.memory_space<vmem>>, %arg4: memref<1x1x4096xi32, #tpu.memory_space<vmem>>, %arg5: memref<1x1x4096xi32, #tpu.memory_space<vmem>>, %arg6: memref<1x1x4096xi32, #tpu.memory_space<vmem>>, %arg7: memref<1x8x4096xf32, #tpu.memory_space<vmem>>) attributes {dimension_semantics = [#tpu.dimension_semantics<arbitrary>, #tpu.dimension_semantics<arbitrary>], iteration_bounds = array<i64: 4, 2>, scalar_prefetch = 0 : i64, scratch_operands = 0 : i64, tpu.core_type = #tpu.core_type<tc>, window_params = [{transform_indices = @transform_0, window_bounds = array<i64: 1, 4096, 3>}, {transform_indices = @transform_1, window_bounds = array<i64: 1, 3, 1024>}, {transform_indices = @transform_2, window_bounds = array<i64: 1, 1, 4096>}, {transform_indices = @transform_3, window_bounds = array<i64: 1, 1, 4096>}, {transform_indices = @transform_4, window_bounds = array<i64: 1, 1, 4096>}, {transform_indices = @transform_5, window_bounds = array<i64: 1, 8, 4096>}]} {
    %add3A = arith.constant 0 : i32
    %add3A_0 = arith.addi %arg0, %add3A : i32
    %get3A = arith.constant 0 : index
    %get3A_1 = arith.constant 0 : index
    %get3A_2 = arith.constant 0 : index
    %get3A_3 = vector.load %arg2[%get3A, %get3A_1, %get3A_2] : memref<1x4096x3xf32, #tpu.memory_space<vmem>>, vector<1x4096x1xf32>
    %get3A_4 = vector.shape_cast %get3A_3 : vector<1x4096x1xf32> to vector<4096x1xf32>
    %get3A_5 = arith.constant 0 : index
    %get3A_6 = arith.constant 0 : index
    %get3A_7 = arith.constant 0 : index
    %get3A_8 = vector.load %arg3[%get3A_5, %get3A_6, %get3A_7] : memref<1x3x1024xf32, #tpu.memory_space<vmem>>, vector<1x1x1024xf32>
    %get3A_9 = vector.shape_cast %get3A_8 : vector<1x1x1024xf32> to vector<1x1024xf32>
    %sub3A = vector.broadcast %get3A_4 : vector<4096x1xf32> to vector<4096x1024xf32>
    %sub3A_10 = vector.broadcast %get3A_9 : vector<1x1024xf32> to vector<4096x1024xf32>
    %sub3A_11 = arith.subf %sub3A, %sub3A_10 : vector<4096x1024xf32>
    %mul3A = arith.mulf %sub3A_11, %sub3A_11 : vector<4096x1024xf32>
    %get3A_12 = arith.constant 0 : index
    %get3A_13 = arith.constant 0 : index
    %get3A_14 = arith.constant 1 : index
    %get3A_15 = vector.load %arg2[%get3A_12, %get3A_13, %get3A_14] : memref<1x4096x3xf32, #tpu.memory_space<vmem>>, vector<1x4096x1xf32>
    %get3A_16 = vector.shape_cast %get3A_15 : vector<1x4096x1xf32> to vector<4096x1xf32>
    %get3A_17 = arith.constant 0 : index
    %get3A_18 = arith.constant 1 : index
    %get3A_19 = arith.constant 0 : index
    %get3A_20 = vector.load %arg3[%get3A_17, %get3A_18, %get3A_19] : memref<1x3x1024xf32, #tpu.memory_space<vmem>>, vector<1x1x1024xf32>
    %get3A_21 = vector.shape_cast %get3A_20 : vector<1x1x1024xf32> to vector<1x1024xf32>
    %sub3A_22 = vector.broadcast %get3A_16 : vector<4096x1xf32> to vector<4096x1024xf32>
    %sub3A_23 = vector.broadcast %get3A_21 : vector<1x1024xf32> to vector<4096x1024xf32>
    %sub3A_24 = arith.subf %sub3A_22, %sub3A_23 : vector<4096x1024xf32>
    %mul3A_25 = arith.mulf %sub3A_24, %sub3A_24 : vector<4096x1024xf32>
    %add3A_26 = arith.addf %mul3A, %mul3A_25 : vector<4096x1024xf32>
    %get3A_27 = arith.constant 0 : index
    %get3A_28 = arith.constant 0 : index
    %get3A_29 = arith.constant 2 : index
    %get3A_30 = vector.load %arg2[%get3A_27, %get3A_28, %get3A_29] : memref<1x4096x3xf32, #tpu.memory_space<vmem>>, vector<1x4096x1xf32>
    %get3A_31 = vector.shape_cast %get3A_30 : vector<1x4096x1xf32> to vector<4096x1xf32>
    %get3A_32 = arith.constant 0 : index
    %get3A_33 = arith.constant 2 : index
    %get3A_34 = arith.constant 0 : index
    %get3A_35 = vector.load %arg3[%get3A_32, %get3A_33, %get3A_34] : memref<1x3x1024xf32, #tpu.memory_space<vmem>>, vector<1x1x1024xf32>
    %get3A_36 = vector.shape_cast %get3A_35 : vector<1x1x1024xf32> to vector<1x1024xf32>
    %sub3A_37 = vector.broadcast %get3A_31 : vector<4096x1xf32> to vector<4096x1024xf32>
    %sub3A_38 = vector.broadcast %get3A_36 : vector<1x1024xf32> to vector<4096x1024xf32>
    %sub3A_39 = arith.subf %sub3A_37, %sub3A_38 : vector<4096x1024xf32>
    %mul3A_40 = arith.mulf %sub3A_39, %sub3A_39 : vector<4096x1024xf32>
    %add3A_41 = arith.addf %add3A_26, %mul3A_40 : vector<4096x1024xf32>
    %iota3A = tpu.iota {dimensions = array<i32: 1>} : vector<4096x1024xi32>
    %convert_element_type3A = arith.sitofp %iota3A : vector<4096x1024xi32> to vector<4096x1024xf32>
    %reduce_min3A = arith.constant dense<0x7F800000> : vector<4096xf32>
    %reduce_min3A_42 = vector.multi_reduction <minimumf>, %add3A_41, %reduce_min3A [1] : vector<4096x1024xf32> to vector<4096xf32>
    %broadcast_in_dim3A = vector.shape_cast %reduce_min3A_42 : vector<4096xf32> to vector<4096x1xf32>
    %le3A = vector.broadcast %broadcast_in_dim3A : vector<4096x1xf32> to vector<4096x1024xf32>
    %le3A_43 = arith.cmpf ole, %add3A_41, %le3A : vector<4096x1024xf32>
    %jit3A = arith.constant 1.024000e+03 : f32
    %broadcast_in_dim3A_44 = vector.broadcast %jit3A : f32 to vector<4096x1024xf32>
    %select_n3A = arith.select %le3A_43, %convert_element_type3A, %broadcast_in_dim3A_44 : vector<4096x1024xi1>, vector<4096x1024xf32>
    %reduce_min3A_45 = arith.constant dense<0x7F800000> : vector<4096xf32>
    %reduce_min3A_46 = vector.multi_reduction <minimumf>, %select_n3A, %reduce_min3A_45 [1] : vector<4096x1024xf32> to vector<4096xf32>
    %broadcast_in_dim3A_47 = vector.shape_cast %reduce_min3A_46 : vector<4096xf32> to vector<4096x1xf32>
    %jit3A_48 = arith.constant 0x7F800000 : f32
    %broadcast_in_dim3A_49 = vector.broadcast %jit3A_48 : f32 to vector<4096x1024xf32>
    %select_n3A_50 = arith.select %le3A_43, %broadcast_in_dim3A_49, %add3A_41 : vector<4096x1024xi1>, vector<4096x1024xf32>
    %convert_element_type3A_51 = arith.fptosi %broadcast_in_dim3A_47 : vector<4096x1xf32> to vector<4096x1xi32>
    %reduce_min3A_52 = arith.constant dense<0x7F800000> : vector<4096xf32>
    %reduce_min3A_53 = vector.multi_reduction <minimumf>, %select_n3A_50, %reduce_min3A_52 [1] : vector<4096x1024xf32> to vector<4096xf32>
    %broadcast_in_dim3A_54 = vector.shape_cast %reduce_min3A_53 : vector<4096xf32> to vector<4096x1xf32>
    %le3A_55 = vector.broadcast %broadcast_in_dim3A_54 : vector<4096x1xf32> to vector<4096x1024xf32>
    %le3A_56 = arith.cmpf ole, %select_n3A_50, %le3A_55 : vector<4096x1024xf32>
    %jit3A_57 = arith.constant 1.024000e+03 : f32
    %broadcast_in_dim3A_58 = vector.broadcast %jit3A_57 : f32 to vector<4096x1024xf32>
    %select_n3A_59 = arith.select %le3A_56, %convert_element_type3A, %broadcast_in_dim3A_58 : vector<4096x1024xi1>, vector<4096x1024xf32>
    %reduce_min3A_60 = arith.constant dense<0x7F800000> : vector<4096xf32>
    %reduce_min3A_61 = vector.multi_reduction <minimumf>, %select_n3A_59, %reduce_min3A_60 [1] : vector<4096x1024xf32> to vector<4096xf32>
    %broadcast_in_dim3A_62 = vector.shape_cast %reduce_min3A_61 : vector<4096xf32> to vector<4096x1xf32>
    %jit3A_63 = arith.constant 0x7F800000 : f32
    %broadcast_in_dim3A_64 = vector.broadcast %jit3A_63 : f32 to vector<4096x1024xf32>
    %select_n3A_65 = arith.select %le3A_56, %broadcast_in_dim3A_64, %select_n3A_50 : vector<4096x1024xi1>, vector<4096x1024xf32>
    %convert_element_type3A_66 = arith.fptosi %broadcast_in_dim3A_62 : vector<4096x1xf32> to vector<4096x1xi32>
    %reduce_min3A_67 = arith.constant dense<0x7F800000> : vector<4096xf32>
    %reduce_min3A_68 = vector.multi_reduction <minimumf>, %select_n3A_65, %reduce_min3A_67 [1] : vector<4096x1024xf32> to vector<4096xf32>
    %broadcast_in_dim3A_69 = vector.shape_cast %reduce_min3A_68 : vector<4096xf32> to vector<4096x1xf32>
    %le3A_70 = vector.broadcast %broadcast_in_dim3A_69 : vector<4096x1xf32> to vector<4096x1024xf32>
    %le3A_71 = arith.cmpf ole, %select_n3A_65, %le3A_70 : vector<4096x1024xf32>
    %jit3A_72 = arith.constant 1.024000e+03 : f32
    %broadcast_in_dim3A_73 = vector.broadcast %jit3A_72 : f32 to vector<4096x1024xf32>
    %select_n3A_74 = arith.select %le3A_71, %convert_element_type3A, %broadcast_in_dim3A_73 : vector<4096x1024xi1>, vector<4096x1024xf32>
    %reduce_min3A_75 = arith.constant dense<0x7F800000> : vector<4096xf32>
    %reduce_min3A_76 = vector.multi_reduction <minimumf>, %select_n3A_74, %reduce_min3A_75 [1] : vector<4096x1024xf32> to vector<4096xf32>
    %broadcast_in_dim3A_77 = vector.shape_cast %reduce_min3A_76 : vector<4096xf32> to vector<4096x1xf32>
    %convert_element_type3A_78 = arith.fptosi %broadcast_in_dim3A_77 : vector<4096x1xf32> to vector<4096x1xi32>
    %add3A_79 = arith.constant 9.99999993E-9 : f32
    %add3A_80 = vector.broadcast %add3A_79 : f32 to vector<4096x1xf32>
    %add3A_81 = arith.addf %broadcast_in_dim3A, %add3A_80 : vector<4096x1xf32>
    %div3A = arith.constant 1.000000e+00 : f32
    %div3A_82 = vector.broadcast %div3A : f32 to vector<4096x1xf32>
    %div3A_83 = arith.divf %div3A_82, %add3A_81 : vector<4096x1xf32>
    %add3A_84 = arith.constant 9.99999993E-9 : f32
    %add3A_85 = vector.broadcast %add3A_84 : f32 to vector<4096x1xf32>
    %add3A_86 = arith.addf %broadcast_in_dim3A_54, %add3A_85 : vector<4096x1xf32>
    %div3A_87 = arith.constant 1.000000e+00 : f32
    %div3A_88 = vector.broadcast %div3A_87 : f32 to vector<4096x1xf32>
    %div3A_89 = arith.divf %div3A_88, %add3A_86 : vector<4096x1xf32>
    %add3A_90 = arith.constant 9.99999993E-9 : f32
    %add3A_91 = vector.broadcast %add3A_90 : f32 to vector<4096x1xf32>
    %add3A_92 = arith.addf %broadcast_in_dim3A_69, %add3A_91 : vector<4096x1xf32>
    %div3A_93 = arith.constant 1.000000e+00 : f32
    %div3A_94 = vector.broadcast %div3A_93 : f32 to vector<4096x1xf32>
    %div3A_95 = arith.divf %div3A_94, %add3A_92 : vector<4096x1xf32>
    %add3A_96 = arith.addf %div3A_83, %div3A_89 : vector<4096x1xf32>
    %add3A_97 = arith.addf %add3A_96, %div3A_95 : vector<4096x1xf32>
    %div3A_98 = arith.divf %div3A_83, %add3A_97 : vector<4096x1xf32>
    %div3A_99 = arith.divf %div3A_89, %add3A_97 : vector<4096x1xf32>
    %div3A_100 = arith.divf %div3A_95, %add3A_97 : vector<4096x1xf32>
    %broadcast_in_dim3A_101 = arith.constant 0.000000e+00 : f32
    %broadcast_in_dim3A_102 = vector.broadcast %broadcast_in_dim3A_101 : f32 to vector<4096x5xf32>
    %concatenate3A = tpu.concatenate %div3A_98, %div3A_99, %div3A_100, %broadcast_in_dim3A_102 in 1 : vector<4096x1xf32>, vector<4096x1xf32>, vector<4096x1xf32>, vector<4096x5xf32> -> vector<4096x8xf32>
    %transpose3A = tpu.transpose %concatenate3A, [1, 0] : vector<4096x8xf32> -> vector<8x4096xf32>
    %swap3A = arith.constant 0 : index
    %swap3A_103 = arith.constant 0 : index
    %swap3A_104 = arith.constant 0 : index
    %swap3A_105 = vector.load %arg7[%swap3A, %swap3A_103, %swap3A_104] : memref<1x8x4096xf32, #tpu.memory_space<vmem>>, vector<1x8x4096xf32>
    %swap3A_106 = vector.shape_cast %swap3A_105 : vector<1x8x4096xf32> to vector<8x4096xf32>
    %swap3A_107 = vector.shape_cast %transpose3A : vector<8x4096xf32> to vector<1x8x4096xf32>
    tpu.vector_store %arg7[%swap3A, %swap3A_103, %swap3A_104], %swap3A_107 {strides = array<i32>} : memref<1x8x4096xf32, #tpu.memory_space<vmem>>, vector<1x8x4096xf32>,
    %mul3A_108 = arith.constant 1024 : i32
    %mul3A_109 = arith.muli %add3A_0, %mul3A_108 : i32
    %add3A_110 = vector.broadcast %mul3A_109 : i32 to vector<4096x1xi32>
    %add3A_111 = arith.addi %convert_element_type3A_51, %add3A_110 : vector<4096x1xi32>
    %add3A_112 = vector.broadcast %mul3A_109 : i32 to vector<4096x1xi32>
    %add3A_113 = arith.addi %convert_element_type3A_66, %add3A_112 : vector<4096x1xi32>
    %add3A_114 = vector.broadcast %mul3A_109 : i32 to vector<4096x1xi32>
    %add3A_115 = arith.addi %convert_element_type3A_78, %add3A_114 : vector<4096x1xi32>
    %concatenate3A_116 = tpu.concatenate %add3A_111, %add3A_113, %add3A_115 in 1 : vector<4096x1xi32>, vector<4096x1xi32>, vector<4096x1xi32> -> vector<4096x3xi32>
    %transpose3A_117 = tpu.transpose %concatenate3A_116, [1, 0] : vector<4096x3xi32> -> vector<3x4096xi32>
    %slice3A = vector.extract_strided_slice %transpose3A_117 {offsets = [0, 0], sizes = [1, 4096], strides = [1, 1]} : vector<3x4096xi32> to vector<1x4096xi32>
    %swap3A_118 = arith.constant 0 : index
    %swap3A_119 = arith.constant 0 : index
    %swap3A_120 = arith.constant 0 : index
    %swap3A_121 = vector.load %arg4[%swap3A_118, %swap3A_119, %swap3A_120] : memref<1x1x4096xi32, #tpu.memory_space<vmem>>, vector<1x1x4096xi32>
    %swap3A_122 = vector.shape_cast %swap3A_121 : vector<1x1x4096xi32> to vector<1x4096xi32>
    %swap3A_123 = vector.shape_cast %slice3A : vector<1x4096xi32> to vector<1x1x4096xi32>
    tpu.vector_store %arg4[%swap3A_118, %swap3A_119, %swap3A_120], %swap3A_123 {strides = array<i32>} : memref<1x1x4096xi32, #tpu.memory_space<vmem>>, vector<1x1x4096xi32>,
    %slice3A_124 = vector.extract_strided_slice %transpose3A_117 {offsets = [1, 0], sizes = [1, 4096], strides = [1, 1]} : vector<3x4096xi32> to vector<1x4096xi32>
    %swap3A_125 = arith.constant 0 : index
    %swap3A_126 = arith.constant 0 : index
    %swap3A_127 = arith.constant 0 : index
    %swap3A_128 = vector.load %arg5[%swap3A_125, %swap3A_126, %swap3A_127] : memref<1x1x4096xi32, #tpu.memory_space<vmem>>, vector<1x1x4096xi32>
    %swap3A_129 = vector.shape_cast %swap3A_128 : vector<1x1x4096xi32> to vector<1x4096xi32>
    %swap3A_130 = vector.shape_cast %slice3A_124 : vector<1x4096xi32> to vector<1x1x4096xi32>
    tpu.vector_store %arg5[%swap3A_125, %swap3A_126, %swap3A_127], %swap3A_130 {strides = array<i32>} : memref<1x1x4096xi32, #tpu.memory_space<vmem>>, vector<1x1x4096xi32>,
    %slice3A_131 = vector.extract_strided_slice %transpose3A_117 {offsets = [2, 0], sizes = [1, 4096], strides = [1, 1]} : vector<3x4096xi32> to vector<1x4096xi32>
    %swap3A_132 = arith.constant 0 : index
    %swap3A_133 = arith.constant 0 : index
    %swap3A_134 = arith.constant 0 : index
    %swap3A_135 = vector.load %arg6[%swap3A_132, %swap3A_133, %swap3A_134] : memref<1x1x4096xi32, #tpu.memory_space<vmem>>, vector<1x1x4096xi32>
    %swap3A_136 = vector.shape_cast %swap3A_135 : vector<1x1x4096xi32> to vector<1x4096xi32>
    %swap3A_137 = vector.shape_cast %slice3A_131 : vector<1x4096xi32> to vector<1x1x4096xi32>
    tpu.vector_store %arg6[%swap3A_132, %swap3A_133, %swap3A_134], %swap3A_137 {strides = array<i32>} : memref<1x1x4096xi32, #tpu.memory_space<vmem>>, vector<1x1x4096xi32>,
    return
  }
  func.func @transform_0(%arg0: i32, %arg1: i32) -> (i32, i32, i32) {
    %add3A = arith.constant 0 : i32
    %add3A_0 = arith.addi %arg0, %add3A : i32
    %c0_i32 = arith.constant 0 : i32
    %c0_i32_1 = arith.constant 0 : i32
    return %add3A_0, %arg1, %c0_i32 : i32, i32, i32
  }
  func.func @transform_1(%arg0: i32, %arg1: i32) -> (i32, i32, i32) {
    %add3A = arith.constant 0 : i32
    %add3A_0 = arith.addi %arg0, %add3A : i32
    %c0_i32 = arith.constant 0 : i32
    %c0_i32_1 = arith.constant 0 : i32
    %c0_i32_2 = arith.constant 0 : i32
    return %add3A_0, %c0_i32, %c0_i32_1 : i32, i32, i32
  }
  func.func @transform_2(%arg0: i32, %arg1: i32) -> (i32, i32, i32) {
    %mul3A = arith.constant 2 : i32
    %mul3A_0 = arith.muli %arg0, %mul3A : i32
    %add3A = arith.addi %mul3A_0, %arg1 : i32
    %c0_i32 = arith.constant 0 : i32
    %c0_i32_1 = arith.constant 0 : i32
    %c0_i32_2 = arith.constant 0 : i32
    return %add3A, %c0_i32, %c0_i32_1 : i32, i32, i32
  }
  func.func @transform_3(%arg0: i32, %arg1: i32) -> (i32, i32, i32) {
    %mul3A = arith.constant 2 : i32
    %mul3A_0 = arith.muli %arg0, %mul3A : i32
    %add3A = arith.addi %mul3A_0, %arg1 : i32
    %c0_i32 = arith.constant 0 : i32
    %c0_i32_1 = arith.constant 0 : i32
    %c0_i32_2 = arith.constant 0 : i32
    return %add3A, %c0_i32, %c0_i32_1 : i32, i32, i32
  }
  func.func @transform_4(%arg0: i32, %arg1: i32) -> (i32, i32, i32) {
    %mul3A = arith.constant 2 : i32
    %mul3A_0 = arith.muli %arg0, %mul3A : i32
    %add3A = arith.addi %mul3A_0, %arg1 : i32
    %c0_i32 = arith.constant 0 : i32
    %c0_i32_1 = arith.constant 0 : i32
    %c0_i32_2 = arith.constant 0 : i32
    return %add3A, %c0_i32, %c0_i32_1 : i32, i32, i32
  }
  func.func @transform_5(%arg0: i32, %arg1: i32) -> (i32, i32, i32) {
    %mul3A = arith.constant 2 : i32
    %mul3A_0 = arith.muli %arg0, %mul3A : i32
    %add3A = arith.addi %mul3A_0, %arg1 : i32
    %c0_i32 = arith.constant 0 : i32
    %c0_i32_1 = arith.constant 0 : i32
    %c0_i32_2 = arith.constant 0 : i32
    return %add3A, %c0_i32, %c0_i32_1 : i32, i32, i32
  }
}

module attributes {stable_mosaic.version = 14 : i64} {
  func.func @_knn_body(%arg0: i32, %arg1: i32, %arg2: memref<1x4096x3xf32, #tpu.memory_space<vmem>>, %arg3: memref<1x3x1024xf32, #tpu.memory_space<vmem>>, %arg4: memref<1x1x4096xi32, #tpu.memory_space<vmem>>, %arg5: memref<1x1x4096xi32, #tpu.memory_space<vmem>>, %arg6: memref<1x1x4096xi32, #tpu.memory_space<vmem>>, %arg7: memref<1x8x4096xf32, #tpu.memory_space<vmem>>) attributes {dimension_semantics = [#tpu.dimension_semantics<arbitrary>, #tpu.dimension_semantics<arbitrary>], iteration_bounds = array<i64: 4, 2>, scalar_prefetch = 0 : i64, scratch_operands = 0 : i64, tpu.core_type = #tpu.core_type<tc>, window_params = [{transform_indices = @transform_0, window_bounds = array<i64: 1, 4096, 3>}, {transform_indices = @transform_1, window_bounds = array<i64: 1, 3, 1024>}, {transform_indices = @transform_2, window_bounds = array<i64: 1, 1, 4096>}, {transform_indices = @transform_3, window_bounds = array<i64: 1, 1, 4096>}, {transform_indices = @transform_4, window_bounds = array<i64: 1, 1, 4096>}, {transform_indices = @transform_5, window_bounds = array<i64: 1, 8, 4096>}]} {
    %add3A = arith.constant 4 : i32
    %add3A_0 = arith.addi %arg0, %add3A : i32
    %get3A = arith.constant 0 : index
    %get3A_1 = arith.constant 0 : index
    %get3A_2 = arith.constant 0 : index
    %get3A_3 = vector.load %arg2[%get3A, %get3A_1, %get3A_2] : memref<1x4096x3xf32, #tpu.memory_space<vmem>>, vector<1x4096x1xf32>
    %get3A_4 = vector.shape_cast %get3A_3 : vector<1x4096x1xf32> to vector<4096x1xf32>
    %get3A_5 = arith.constant 0 : index
    %get3A_6 = arith.constant 0 : index
    %get3A_7 = arith.constant 0 : index
    %get3A_8 = vector.load %arg3[%get3A_5, %get3A_6, %get3A_7] : memref<1x3x1024xf32, #tpu.memory_space<vmem>>, vector<1x1x1024xf32>
    %get3A_9 = vector.shape_cast %get3A_8 : vector<1x1x1024xf32> to vector<1x1024xf32>
    %sub3A = vector.broadcast %get3A_4 : vector<4096x1xf32> to vector<4096x1024xf32>
    %sub3A_10 = vector.broadcast %get3A_9 : vector<1x1024xf32> to vector<4096x1024xf32>
    %sub3A_11 = arith.subf %sub3A, %sub3A_10 : vector<4096x1024xf32>
    %mul3A = arith.mulf %sub3A_11, %sub3A_11 : vector<4096x1024xf32>
    %get3A_12 = arith.constant 0 : index
    %get3A_13 = arith.constant 0 : index
    %get3A_14 = arith.constant 1 : index
    %get3A_15 = vector.load %arg2[%get3A_12, %get3A_13, %get3A_14] : memref<1x4096x3xf32, #tpu.memory_space<vmem>>, vector<1x4096x1xf32>
    %get3A_16 = vector.shape_cast %get3A_15 : vector<1x4096x1xf32> to vector<4096x1xf32>
    %get3A_17 = arith.constant 0 : index
    %get3A_18 = arith.constant 1 : index
    %get3A_19 = arith.constant 0 : index
    %get3A_20 = vector.load %arg3[%get3A_17, %get3A_18, %get3A_19] : memref<1x3x1024xf32, #tpu.memory_space<vmem>>, vector<1x1x1024xf32>
    %get3A_21 = vector.shape_cast %get3A_20 : vector<1x1x1024xf32> to vector<1x1024xf32>
    %sub3A_22 = vector.broadcast %get3A_16 : vector<4096x1xf32> to vector<4096x1024xf32>
    %sub3A_23 = vector.broadcast %get3A_21 : vector<1x1024xf32> to vector<4096x1024xf32>
    %sub3A_24 = arith.subf %sub3A_22, %sub3A_23 : vector<4096x1024xf32>
    %mul3A_25 = arith.mulf %sub3A_24, %sub3A_24 : vector<4096x1024xf32>
    %add3A_26 = arith.addf %mul3A, %mul3A_25 : vector<4096x1024xf32>
    %get3A_27 = arith.constant 0 : index
    %get3A_28 = arith.constant 0 : index
    %get3A_29 = arith.constant 2 : index
    %get3A_30 = vector.load %arg2[%get3A_27, %get3A_28, %get3A_29] : memref<1x4096x3xf32, #tpu.memory_space<vmem>>, vector<1x4096x1xf32>
    %get3A_31 = vector.shape_cast %get3A_30 : vector<1x4096x1xf32> to vector<4096x1xf32>
    %get3A_32 = arith.constant 0 : index
    %get3A_33 = arith.constant 2 : index
    %get3A_34 = arith.constant 0 : index
    %get3A_35 = vector.load %arg3[%get3A_32, %get3A_33, %get3A_34] : memref<1x3x1024xf32, #tpu.memory_space<vmem>>, vector<1x1x1024xf32>
    %get3A_36 = vector.shape_cast %get3A_35 : vector<1x1x1024xf32> to vector<1x1024xf32>
    %sub3A_37 = vector.broadcast %get3A_31 : vector<4096x1xf32> to vector<4096x1024xf32>
    %sub3A_38 = vector.broadcast %get3A_36 : vector<1x1024xf32> to vector<4096x1024xf32>
    %sub3A_39 = arith.subf %sub3A_37, %sub3A_38 : vector<4096x1024xf32>
    %mul3A_40 = arith.mulf %sub3A_39, %sub3A_39 : vector<4096x1024xf32>
    %add3A_41 = arith.addf %add3A_26, %mul3A_40 : vector<4096x1024xf32>
    %iota3A = tpu.iota {dimensions = array<i32: 1>} : vector<4096x1024xi32>
    %convert_element_type3A = arith.sitofp %iota3A : vector<4096x1024xi32> to vector<4096x1024xf32>
    %reduce_min3A = arith.constant dense<0x7F800000> : vector<4096xf32>
    %reduce_min3A_42 = vector.multi_reduction <minimumf>, %add3A_41, %reduce_min3A [1] : vector<4096x1024xf32> to vector<4096xf32>
    %broadcast_in_dim3A = vector.shape_cast %reduce_min3A_42 : vector<4096xf32> to vector<4096x1xf32>
    %le3A = vector.broadcast %broadcast_in_dim3A : vector<4096x1xf32> to vector<4096x1024xf32>
    %le3A_43 = arith.cmpf ole, %add3A_41, %le3A : vector<4096x1024xf32>
    %jit3A = arith.constant 1.024000e+03 : f32
    %broadcast_in_dim3A_44 = vector.broadcast %jit3A : f32 to vector<4096x1024xf32>
    %select_n3A = arith.select %le3A_43, %convert_element_type3A, %broadcast_in_dim3A_44 : vector<4096x1024xi1>, vector<4096x1024xf32>
    %reduce_min3A_45 = arith.constant dense<0x7F800000> : vector<4096xf32>
    %reduce_min3A_46 = vector.multi_reduction <minimumf>, %select_n3A, %reduce_min3A_45 [1] : vector<4096x1024xf32> to vector<4096xf32>
    %broadcast_in_dim3A_47 = vector.shape_cast %reduce_min3A_46 : vector<4096xf32> to vector<4096x1xf32>
    %jit3A_48 = arith.constant 0x7F800000 : f32
    %broadcast_in_dim3A_49 = vector.broadcast %jit3A_48 : f32 to vector<4096x1024xf32>
    %select_n3A_50 = arith.select %le3A_43, %broadcast_in_dim3A_49, %add3A_41 : vector<4096x1024xi1>, vector<4096x1024xf32>
    %convert_element_type3A_51 = arith.fptosi %broadcast_in_dim3A_47 : vector<4096x1xf32> to vector<4096x1xi32>
    %reduce_min3A_52 = arith.constant dense<0x7F800000> : vector<4096xf32>
    %reduce_min3A_53 = vector.multi_reduction <minimumf>, %select_n3A_50, %reduce_min3A_52 [1] : vector<4096x1024xf32> to vector<4096xf32>
    %broadcast_in_dim3A_54 = vector.shape_cast %reduce_min3A_53 : vector<4096xf32> to vector<4096x1xf32>
    %le3A_55 = vector.broadcast %broadcast_in_dim3A_54 : vector<4096x1xf32> to vector<4096x1024xf32>
    %le3A_56 = arith.cmpf ole, %select_n3A_50, %le3A_55 : vector<4096x1024xf32>
    %jit3A_57 = arith.constant 1.024000e+03 : f32
    %broadcast_in_dim3A_58 = vector.broadcast %jit3A_57 : f32 to vector<4096x1024xf32>
    %select_n3A_59 = arith.select %le3A_56, %convert_element_type3A, %broadcast_in_dim3A_58 : vector<4096x1024xi1>, vector<4096x1024xf32>
    %reduce_min3A_60 = arith.constant dense<0x7F800000> : vector<4096xf32>
    %reduce_min3A_61 = vector.multi_reduction <minimumf>, %select_n3A_59, %reduce_min3A_60 [1] : vector<4096x1024xf32> to vector<4096xf32>
    %broadcast_in_dim3A_62 = vector.shape_cast %reduce_min3A_61 : vector<4096xf32> to vector<4096x1xf32>
    %jit3A_63 = arith.constant 0x7F800000 : f32
    %broadcast_in_dim3A_64 = vector.broadcast %jit3A_63 : f32 to vector<4096x1024xf32>
    %select_n3A_65 = arith.select %le3A_56, %broadcast_in_dim3A_64, %select_n3A_50 : vector<4096x1024xi1>, vector<4096x1024xf32>
    %convert_element_type3A_66 = arith.fptosi %broadcast_in_dim3A_62 : vector<4096x1xf32> to vector<4096x1xi32>
    %reduce_min3A_67 = arith.constant dense<0x7F800000> : vector<4096xf32>
    %reduce_min3A_68 = vector.multi_reduction <minimumf>, %select_n3A_65, %reduce_min3A_67 [1] : vector<4096x1024xf32> to vector<4096xf32>
    %broadcast_in_dim3A_69 = vector.shape_cast %reduce_min3A_68 : vector<4096xf32> to vector<4096x1xf32>
    %le3A_70 = vector.broadcast %broadcast_in_dim3A_69 : vector<4096x1xf32> to vector<4096x1024xf32>
    %le3A_71 = arith.cmpf ole, %select_n3A_65, %le3A_70 : vector<4096x1024xf32>
    %jit3A_72 = arith.constant 1.024000e+03 : f32
    %broadcast_in_dim3A_73 = vector.broadcast %jit3A_72 : f32 to vector<4096x1024xf32>
    %select_n3A_74 = arith.select %le3A_71, %convert_element_type3A, %broadcast_in_dim3A_73 : vector<4096x1024xi1>, vector<4096x1024xf32>
    %reduce_min3A_75 = arith.constant dense<0x7F800000> : vector<4096xf32>
    %reduce_min3A_76 = vector.multi_reduction <minimumf>, %select_n3A_74, %reduce_min3A_75 [1] : vector<4096x1024xf32> to vector<4096xf32>
    %broadcast_in_dim3A_77 = vector.shape_cast %reduce_min3A_76 : vector<4096xf32> to vector<4096x1xf32>
    %convert_element_type3A_78 = arith.fptosi %broadcast_in_dim3A_77 : vector<4096x1xf32> to vector<4096x1xi32>
    %add3A_79 = arith.constant 9.99999993E-9 : f32
    %add3A_80 = vector.broadcast %add3A_79 : f32 to vector<4096x1xf32>
    %add3A_81 = arith.addf %broadcast_in_dim3A, %add3A_80 : vector<4096x1xf32>
    %div3A = arith.constant 1.000000e+00 : f32
    %div3A_82 = vector.broadcast %div3A : f32 to vector<4096x1xf32>
    %div3A_83 = arith.divf %div3A_82, %add3A_81 : vector<4096x1xf32>
    %add3A_84 = arith.constant 9.99999993E-9 : f32
    %add3A_85 = vector.broadcast %add3A_84 : f32 to vector<4096x1xf32>
    %add3A_86 = arith.addf %broadcast_in_dim3A_54, %add3A_85 : vector<4096x1xf32>
    %div3A_87 = arith.constant 1.000000e+00 : f32
    %div3A_88 = vector.broadcast %div3A_87 : f32 to vector<4096x1xf32>
    %div3A_89 = arith.divf %div3A_88, %add3A_86 : vector<4096x1xf32>
    %add3A_90 = arith.constant 9.99999993E-9 : f32
    %add3A_91 = vector.broadcast %add3A_90 : f32 to vector<4096x1xf32>
    %add3A_92 = arith.addf %broadcast_in_dim3A_69, %add3A_91 : vector<4096x1xf32>
    %div3A_93 = arith.constant 1.000000e+00 : f32
    %div3A_94 = vector.broadcast %div3A_93 : f32 to vector<4096x1xf32>
    %div3A_95 = arith.divf %div3A_94, %add3A_92 : vector<4096x1xf32>
    %add3A_96 = arith.addf %div3A_83, %div3A_89 : vector<4096x1xf32>
    %add3A_97 = arith.addf %add3A_96, %div3A_95 : vector<4096x1xf32>
    %div3A_98 = arith.divf %div3A_83, %add3A_97 : vector<4096x1xf32>
    %div3A_99 = arith.divf %div3A_89, %add3A_97 : vector<4096x1xf32>
    %div3A_100 = arith.divf %div3A_95, %add3A_97 : vector<4096x1xf32>
    %broadcast_in_dim3A_101 = arith.constant 0.000000e+00 : f32
    %broadcast_in_dim3A_102 = vector.broadcast %broadcast_in_dim3A_101 : f32 to vector<4096x5xf32>
    %concatenate3A = tpu.concatenate %div3A_98, %div3A_99, %div3A_100, %broadcast_in_dim3A_102 in 1 : vector<4096x1xf32>, vector<4096x1xf32>, vector<4096x1xf32>, vector<4096x5xf32> -> vector<4096x8xf32>
    %transpose3A = tpu.transpose %concatenate3A, [1, 0] : vector<4096x8xf32> -> vector<8x4096xf32>
    %swap3A = arith.constant 0 : index
    %swap3A_103 = arith.constant 0 : index
    %swap3A_104 = arith.constant 0 : index
    %swap3A_105 = vector.load %arg7[%swap3A, %swap3A_103, %swap3A_104] : memref<1x8x4096xf32, #tpu.memory_space<vmem>>, vector<1x8x4096xf32>
    %swap3A_106 = vector.shape_cast %swap3A_105 : vector<1x8x4096xf32> to vector<8x4096xf32>
    %swap3A_107 = vector.shape_cast %transpose3A : vector<8x4096xf32> to vector<1x8x4096xf32>
    tpu.vector_store %arg7[%swap3A, %swap3A_103, %swap3A_104], %swap3A_107 {strides = array<i32>} : memref<1x8x4096xf32, #tpu.memory_space<vmem>>, vector<1x8x4096xf32>,
    %mul3A_108 = arith.constant 1024 : i32
    %mul3A_109 = arith.muli %add3A_0, %mul3A_108 : i32
    %add3A_110 = vector.broadcast %mul3A_109 : i32 to vector<4096x1xi32>
    %add3A_111 = arith.addi %convert_element_type3A_51, %add3A_110 : vector<4096x1xi32>
    %add3A_112 = vector.broadcast %mul3A_109 : i32 to vector<4096x1xi32>
    %add3A_113 = arith.addi %convert_element_type3A_66, %add3A_112 : vector<4096x1xi32>
    %add3A_114 = vector.broadcast %mul3A_109 : i32 to vector<4096x1xi32>
    %add3A_115 = arith.addi %convert_element_type3A_78, %add3A_114 : vector<4096x1xi32>
    %concatenate3A_116 = tpu.concatenate %add3A_111, %add3A_113, %add3A_115 in 1 : vector<4096x1xi32>, vector<4096x1xi32>, vector<4096x1xi32> -> vector<4096x3xi32>
    %transpose3A_117 = tpu.transpose %concatenate3A_116, [1, 0] : vector<4096x3xi32> -> vector<3x4096xi32>
    %slice3A = vector.extract_strided_slice %transpose3A_117 {offsets = [0, 0], sizes = [1, 4096], strides = [1, 1]} : vector<3x4096xi32> to vector<1x4096xi32>
    %swap3A_118 = arith.constant 0 : index
    %swap3A_119 = arith.constant 0 : index
    %swap3A_120 = arith.constant 0 : index
    %swap3A_121 = vector.load %arg4[%swap3A_118, %swap3A_119, %swap3A_120] : memref<1x1x4096xi32, #tpu.memory_space<vmem>>, vector<1x1x4096xi32>
    %swap3A_122 = vector.shape_cast %swap3A_121 : vector<1x1x4096xi32> to vector<1x4096xi32>
    %swap3A_123 = vector.shape_cast %slice3A : vector<1x4096xi32> to vector<1x1x4096xi32>
    tpu.vector_store %arg4[%swap3A_118, %swap3A_119, %swap3A_120], %swap3A_123 {strides = array<i32>} : memref<1x1x4096xi32, #tpu.memory_space<vmem>>, vector<1x1x4096xi32>,
    %slice3A_124 = vector.extract_strided_slice %transpose3A_117 {offsets = [1, 0], sizes = [1, 4096], strides = [1, 1]} : vector<3x4096xi32> to vector<1x4096xi32>
    %swap3A_125 = arith.constant 0 : index
    %swap3A_126 = arith.constant 0 : index
    %swap3A_127 = arith.constant 0 : index
    %swap3A_128 = vector.load %arg5[%swap3A_125, %swap3A_126, %swap3A_127] : memref<1x1x4096xi32, #tpu.memory_space<vmem>>, vector<1x1x4096xi32>
    %swap3A_129 = vector.shape_cast %swap3A_128 : vector<1x1x4096xi32> to vector<1x4096xi32>
    %swap3A_130 = vector.shape_cast %slice3A_124 : vector<1x4096xi32> to vector<1x1x4096xi32>
    tpu.vector_store %arg5[%swap3A_125, %swap3A_126, %swap3A_127], %swap3A_130 {strides = array<i32>} : memref<1x1x4096xi32, #tpu.memory_space<vmem>>, vector<1x1x4096xi32>,
    %slice3A_131 = vector.extract_strided_slice %transpose3A_117 {offsets = [2, 0], sizes = [1, 4096], strides = [1, 1]} : vector<3x4096xi32> to vector<1x4096xi32>
    %swap3A_132 = arith.constant 0 : index
    %swap3A_133 = arith.constant 0 : index
    %swap3A_134 = arith.constant 0 : index
    %swap3A_135 = vector.load %arg6[%swap3A_132, %swap3A_133, %swap3A_134] : memref<1x1x4096xi32, #tpu.memory_space<vmem>>, vector<1x1x4096xi32>
    %swap3A_136 = vector.shape_cast %swap3A_135 : vector<1x1x4096xi32> to vector<1x4096xi32>
    %swap3A_137 = vector.shape_cast %slice3A_131 : vector<1x4096xi32> to vector<1x1x4096xi32>
    tpu.vector_store %arg6[%swap3A_132, %swap3A_133, %swap3A_134], %swap3A_137 {strides = array<i32>} : memref<1x1x4096xi32, #tpu.memory_space<vmem>>, vector<1x1x4096xi32>,
    return
  }
  func.func @transform_0(%arg0: i32, %arg1: i32) -> (i32, i32, i32) {
    %add3A = arith.constant 4 : i32
    %add3A_0 = arith.addi %arg0, %add3A : i32
    %c0_i32 = arith.constant 0 : i32
    %c0_i32_1 = arith.constant 0 : i32
    return %add3A_0, %arg1, %c0_i32 : i32, i32, i32
  }
  func.func @transform_1(%arg0: i32, %arg1: i32) -> (i32, i32, i32) {
    %add3A = arith.constant 4 : i32
    %add3A_0 = arith.addi %arg0, %add3A : i32
    %c0_i32 = arith.constant 0 : i32
    %c0_i32_1 = arith.constant 0 : i32
    %c0_i32_2 = arith.constant 0 : i32
    return %add3A_0, %c0_i32, %c0_i32_1 : i32, i32, i32
  }
  func.func @transform_2(%arg0: i32, %arg1: i32) -> (i32, i32, i32) {
    %mul3A = arith.constant 2 : i32
    %mul3A_0 = arith.muli %arg0, %mul3A : i32
    %add3A = arith.addi %mul3A_0, %arg1 : i32
    %c0_i32 = arith.constant 0 : i32
    %c0_i32_1 = arith.constant 0 : i32
    %c0_i32_2 = arith.constant 0 : i32
    return %add3A, %c0_i32, %c0_i32_1 : i32, i32, i32
  }
  func.func @transform_3(%arg0: i32, %arg1: i32) -> (i32, i32, i32) {
    %mul3A = arith.constant 2 : i32
    %mul3A_0 = arith.muli %arg0, %mul3A : i32
    %add3A = arith.addi %mul3A_0, %arg1 : i32
    %c0_i32 = arith.constant 0 : i32
    %c0_i32_1 = arith.constant 0 : i32
    %c0_i32_2 = arith.constant 0 : i32
    return %add3A, %c0_i32, %c0_i32_1 : i32, i32, i32
  }
  func.func @transform_4(%arg0: i32, %arg1: i32) -> (i32, i32, i32) {
    %mul3A = arith.constant 2 : i32
    %mul3A_0 = arith.muli %arg0, %mul3A : i32
    %add3A = arith.addi %mul3A_0, %arg1 : i32
    %c0_i32 = arith.constant 0 : i32
    %c0_i32_1 = arith.constant 0 : i32
    %c0_i32_2 = arith.constant 0 : i32
    return %add3A, %c0_i32, %c0_i32_1 : i32, i32, i32
  }
  func.func @transform_5(%arg0: i32, %arg1: i32) -> (i32, i32, i32) {
    %mul3A = arith.constant 2 : i32
    %mul3A_0 = arith.muli %arg0, %mul3A : i32
    %add3A = arith.addi %mul3A_0, %arg1 : i32
    %c0_i32 = arith.constant 0 : i32
    %c0_i32_1 = arith.constant 0 : i32
    %c0_i32_2 = arith.constant 0 : i32
    return %add3A, %c0_i32, %c0_i32_1 : i32, i32, i32
  }
}

module attributes {stable_mosaic.version = 14 : i64} {
  func.func @_mlp_body(%arg0: i32, %arg1: i32, %arg2: memref<4096x128xf32, #tpu.memory_space<vmem>>, %arg3: memref<4096x128xf32, #tpu.memory_space<vmem>>, %arg4: memref<4096x128xf32, #tpu.memory_space<vmem>>, %arg5: memref<1x8x4096xf32, #tpu.memory_space<vmem>>, %arg6: memref<1x64x4096xf32, #tpu.memory_space<vmem>>, %arg7: memref<128x192xf32, #tpu.memory_space<vmem>>, %arg8: memref<128x1xf32, #tpu.memory_space<vmem>>, %arg9: memref<1x128x4096xf32, #tpu.memory_space<vmem>>, %arg10: memref<128x2xf32, #tpu.memory_space<vmem>>) attributes {dimension_semantics = [#tpu.dimension_semantics<arbitrary>, #tpu.dimension_semantics<arbitrary>], iteration_bounds = array<i64: 4, 2>, scalar_prefetch = 0 : i64, scratch_operands = 0 : i64, tpu.core_type = #tpu.core_type<tc>, window_params = [{transform_indices = @transform_0, window_bounds = array<i64: 4096, 128>}, {transform_indices = @transform_1, window_bounds = array<i64: 4096, 128>}, {transform_indices = @transform_2, window_bounds = array<i64: 4096, 128>}, {transform_indices = @transform_3, window_bounds = array<i64: 1, 8, 4096>}, {transform_indices = @transform_4, window_bounds = array<i64: 1, 64, 4096>}, {pipeline_mode = #tpu.pipeline_mode<synchronous>, transform_indices = @transform_5, window_bounds = array<i64: 128, 192>}, {pipeline_mode = #tpu.pipeline_mode<synchronous>, transform_indices = @transform_6, window_bounds = array<i64: 128, 1>}, {transform_indices = @transform_7, window_bounds = array<i64: 1, 128, 4096>}, {pipeline_mode = #tpu.pipeline_mode<synchronous>, transform_indices = @transform_8, window_bounds = array<i64: 128, 2>}]} {
    %get3A = arith.constant 0 : index
    %get3A_0 = arith.constant 0 : index
    %get3A_1 = arith.constant 0 : index
    %get3A_2 = vector.load %arg5[%get3A, %get3A_0, %get3A_1] : memref<1x8x4096xf32, #tpu.memory_space<vmem>>, vector<1x8x4096xf32>
    %get3A_3 = vector.shape_cast %get3A_2 : vector<1x8x4096xf32> to vector<8x4096xf32>
    %transpose3A = tpu.transpose %get3A_3, [1, 0] : vector<8x4096xf32> -> vector<4096x8xf32>
    %get3A_4 = arith.constant 0 : index
    %get3A_5 = arith.constant 0 : index
    %get3A_6 = vector.load %arg2[%get3A_4, %get3A_5] : memref<4096x128xf32, #tpu.memory_space<vmem>>, vector<4096x128xf32>
    %slice3A = vector.extract_strided_slice %transpose3A {offsets = [0, 0], sizes = [4096, 1], strides = [1, 1]} : vector<4096x8xf32> to vector<4096x1xf32>
    %mul3A = vector.broadcast %slice3A : vector<4096x1xf32> to vector<4096x128xf32>
    %mul3A_7 = arith.mulf %get3A_6, %mul3A : vector<4096x128xf32>
    %get3A_8 = arith.constant 0 : index
    %get3A_9 = arith.constant 0 : index
    %get3A_10 = vector.load %arg3[%get3A_8, %get3A_9] : memref<4096x128xf32, #tpu.memory_space<vmem>>, vector<4096x128xf32>
    %slice3A_11 = vector.extract_strided_slice %transpose3A {offsets = [0, 1], sizes = [4096, 1], strides = [1, 1]} : vector<4096x8xf32> to vector<4096x1xf32>
    %mul3A_12 = vector.broadcast %slice3A_11 : vector<4096x1xf32> to vector<4096x128xf32>
    %mul3A_13 = arith.mulf %get3A_10, %mul3A_12 : vector<4096x128xf32>
    %add3A = arith.addf %mul3A_7, %mul3A_13 : vector<4096x128xf32>
    %get3A_14 = arith.constant 0 : index
    %get3A_15 = arith.constant 0 : index
    %get3A_16 = vector.load %arg4[%get3A_14, %get3A_15] : memref<4096x128xf32, #tpu.memory_space<vmem>>, vector<4096x128xf32>
    %slice3A_17 = vector.extract_strided_slice %transpose3A {offsets = [0, 2], sizes = [4096, 1], strides = [1, 1]} : vector<4096x8xf32> to vector<4096x1xf32>
    %mul3A_18 = vector.broadcast %slice3A_17 : vector<4096x1xf32> to vector<4096x128xf32>
    %mul3A_19 = arith.mulf %get3A_16, %mul3A_18 : vector<4096x128xf32>
    %add3A_20 = arith.addf %add3A, %mul3A_19 : vector<4096x128xf32>
    %get3A_21 = arith.constant 0 : index
    %get3A_22 = arith.constant 0 : index
    %get3A_23 = arith.constant 0 : index
    %get3A_24 = vector.load %arg6[%get3A_21, %get3A_22, %get3A_23] : memref<1x64x4096xf32, #tpu.memory_space<vmem>>, vector<1x64x4096xf32>
    %get3A_25 = vector.shape_cast %get3A_24 : vector<1x64x4096xf32> to vector<64x4096xf32>
    %get3A_26 = arith.constant 0 : index
    %get3A_27 = arith.constant 0 : index
    %get3A_28 = vector.load %arg7[%get3A_26, %get3A_27] : memref<128x192xf32, #tpu.memory_space<vmem>>, vector<128x192xf32>
    %slice3A_29 = vector.extract_strided_slice %get3A_28 {offsets = [0, 0], sizes = [128, 128], strides = [1, 1]} : vector<128x192xf32> to vector<128x128xf32>
    %dot_general3A = arith.constant dense<0.000000e+00> : vector<128x4096xf32>
    %dot_general3A_30 = tpu.matmul %slice3A_29, %add3A_20, %dot_general3A {dimension_numbers = #tpu.dot_dimension_numbers<[1], [1], [0], [0], [0, 0, 1, 0], [], []>, transpose_lhs_hint = false} : vector<128x128xf32>, vector<4096x128xf32>, vector<128x4096xf32> -> vector<128x4096xf32>
    %slice3A_31 = vector.extract_strided_slice %get3A_28 {offsets = [0, 128], sizes = [128, 64], strides = [1, 1]} : vector<128x192xf32> to vector<128x64xf32>
    %dot_general3A_32 = arith.constant dense<0.000000e+00> : vector<128x4096xf32>
    %dot_general3A_33 = tpu.matmul %slice3A_31, %get3A_25, %dot_general3A_32 {dimension_numbers = #tpu.dot_dimension_numbers<[1], [0], [0], [1], [0, 0, 1, 1], [], []>, transpose_lhs_hint = false} : vector<128x64xf32>, vector<64x4096xf32>, vector<128x4096xf32> -> vector<128x4096xf32>
    %add3A_34 = arith.addf %dot_general3A_30, %dot_general3A_33 : vector<128x4096xf32>
    %get3A_35 = arith.constant 0 : index
    %get3A_36 = arith.constant 0 : index
    %get3A_37 = vector.load %arg8[%get3A_35, %get3A_36] : memref<128x1xf32, #tpu.memory_space<vmem>>, vector<128x1xf32>
    %add3A_38 = vector.broadcast %get3A_37 : vector<128x1xf32> to vector<128x4096xf32>
    %add3A_39 = arith.addf %add3A_34, %add3A_38 : vector<128x4096xf32>
    %swap3A = arith.constant 0 : index
    %swap3A_40 = arith.constant 0 : index
    %swap3A_41 = arith.constant 0 : index
    %swap3A_42 = vector.load %arg9[%swap3A, %swap3A_40, %swap3A_41] : memref<1x128x4096xf32, #tpu.memory_space<vmem>>, vector<1x128x4096xf32>
    %swap3A_43 = vector.shape_cast %swap3A_42 : vector<1x128x4096xf32> to vector<128x4096xf32>
    %swap3A_44 = vector.shape_cast %add3A_39 : vector<128x4096xf32> to vector<1x128x4096xf32>
    tpu.vector_store %arg9[%swap3A, %swap3A_40, %swap3A_41], %swap3A_44 {strides = array<i32>} : memref<1x128x4096xf32, #tpu.memory_space<vmem>>, vector<1x128x4096xf32>,
    %reduce_sum3A = arith.constant dense<0.000000e+00> : vector<128xf32>
    %reduce_sum3A_45 = vector.multi_reduction <add>, %add3A_39, %reduce_sum3A [1] : vector<128x4096xf32> to vector<128xf32>
    %broadcast_in_dim3A = vector.shape_cast %reduce_sum3A_45 : vector<128xf32> to vector<128x1xf32>
    %mul3A_46 = arith.mulf %add3A_39, %add3A_39 : vector<128x4096xf32>
    %reduce_sum3A_47 = arith.constant dense<0.000000e+00> : vector<128xf32>
    %reduce_sum3A_48 = vector.multi_reduction <add>, %mul3A_46, %reduce_sum3A_47 [1] : vector<128x4096xf32> to vector<128xf32>
    %broadcast_in_dim3A_49 = vector.shape_cast %reduce_sum3A_48 : vector<128xf32> to vector<128x1xf32>
    %concatenate3A = tpu.concatenate %broadcast_in_dim3A, %broadcast_in_dim3A_49 in 1 : vector<128x1xf32>, vector<128x1xf32> -> vector<128x2xf32>
    %eq3A = arith.constant 0 : i32
    %eq3A_50 = arith.cmpi eq, %arg0, %eq3A : i32
    %eq3A_51 = arith.constant 0 : i32
    %eq3A_52 = arith.cmpi eq, %arg1, %eq3A_51 : i32
    %and3A = arith.andi %eq3A_50, %eq3A_52 : i1
    %convert_element_type3A = arith.extui %and3A : i1 to i32
    %cond3A = arith.constant 0 : i32
    %cond3A_53 = arith.cmpi ne, %convert_element_type3A, %cond3A : i32
    scf.if %cond3A_53 {
      %broadcast_in_dim3A_61 = arith.constant 0.000000e+00 : f32
      %broadcast_in_dim3A_62 = vector.broadcast %broadcast_in_dim3A_61 : f32 to vector<128x2xf32>
      %swap3A_63 = arith.constant 0 : index
      %swap3A_64 = arith.constant 0 : index
      %swap3A_65 = vector.load %arg10[%swap3A_63, %swap3A_64] : memref<128x2xf32, #tpu.memory_space<vmem>>, vector<128x2xf32>
      tpu.vector_store %arg10[%swap3A_63, %swap3A_64], %broadcast_in_dim3A_62 {strides = array<i32>} : memref<128x2xf32, #tpu.memory_space<vmem>>, vector<128x2xf32>,
    } else {
    }
    %get3A_54 = arith.constant 0 : index
    %get3A_55 = arith.constant 0 : index
    %get3A_56 = vector.load %arg10[%get3A_54, %get3A_55] : memref<128x2xf32, #tpu.memory_space<vmem>>, vector<128x2xf32>
    %add3A_57 = arith.addf %get3A_56, %concatenate3A : vector<128x2xf32>
    %swap3A_58 = arith.constant 0 : index
    %swap3A_59 = arith.constant 0 : index
    %swap3A_60 = vector.load %arg10[%swap3A_58, %swap3A_59] : memref<128x2xf32, #tpu.memory_space<vmem>>, vector<128x2xf32>
    tpu.vector_store %arg10[%swap3A_58, %swap3A_59], %add3A_57 {strides = array<i32>} : memref<128x2xf32, #tpu.memory_space<vmem>>, vector<128x2xf32>,
    return
  }
  func.func @transform_0(%arg0: i32, %arg1: i32) -> (i32, i32) {
    %mul3A = arith.constant 2 : i32
    %mul3A_0 = arith.muli %arg0, %mul3A : i32
    %add3A = arith.addi %mul3A_0, %arg1 : i32
    %c0_i32 = arith.constant 0 : i32
    %c0_i32_1 = arith.constant 0 : i32
    return %add3A, %c0_i32 : i32, i32
  }
  func.func @transform_1(%arg0: i32, %arg1: i32) -> (i32, i32) {
    %mul3A = arith.constant 2 : i32
    %mul3A_0 = arith.muli %arg0, %mul3A : i32
    %add3A = arith.addi %mul3A_0, %arg1 : i32
    %c0_i32 = arith.constant 0 : i32
    %c0_i32_1 = arith.constant 0 : i32
    return %add3A, %c0_i32 : i32, i32
  }
  func.func @transform_2(%arg0: i32, %arg1: i32) -> (i32, i32) {
    %mul3A = arith.constant 2 : i32
    %mul3A_0 = arith.muli %arg0, %mul3A : i32
    %add3A = arith.addi %mul3A_0, %arg1 : i32
    %c0_i32 = arith.constant 0 : i32
    %c0_i32_1 = arith.constant 0 : i32
    return %add3A, %c0_i32 : i32, i32
  }
  func.func @transform_3(%arg0: i32, %arg1: i32) -> (i32, i32, i32) {
    %mul3A = arith.constant 2 : i32
    %mul3A_0 = arith.muli %arg0, %mul3A : i32
    %add3A = arith.addi %mul3A_0, %arg1 : i32
    %c0_i32 = arith.constant 0 : i32
    %c0_i32_1 = arith.constant 0 : i32
    %c0_i32_2 = arith.constant 0 : i32
    return %add3A, %c0_i32, %c0_i32_1 : i32, i32, i32
  }
  func.func @transform_4(%arg0: i32, %arg1: i32) -> (i32, i32, i32) {
    %add3A = arith.constant 0 : i32
    %add3A_0 = arith.addi %arg0, %add3A : i32
    %c0_i32 = arith.constant 0 : i32
    %c0_i32_1 = arith.constant 0 : i32
    return %add3A_0, %c0_i32, %arg1 : i32, i32, i32
  }
  func.func @transform_5(%arg0: i32, %arg1: i32) -> (i32, i32) {
    %c0_i32 = arith.constant 0 : i32
    %c0_i32_0 = arith.constant 0 : i32
    %c0_i32_1 = arith.constant 0 : i32
    return %c0_i32, %c0_i32_0 : i32, i32
  }
  func.func @transform_6(%arg0: i32, %arg1: i32) -> (i32, i32) {
    %c0_i32 = arith.constant 0 : i32
    %c0_i32_0 = arith.constant 0 : i32
    %c0_i32_1 = arith.constant 0 : i32
    return %c0_i32, %c0_i32_0 : i32, i32
  }
  func.func @transform_7(%arg0: i32, %arg1: i32) -> (i32, i32, i32) {
    %add3A = arith.constant 0 : i32
    %add3A_0 = arith.addi %arg0, %add3A : i32
    %c0_i32 = arith.constant 0 : i32
    %c0_i32_1 = arith.constant 0 : i32
    return %add3A_0, %c0_i32, %arg1 : i32, i32, i32
  }
  func.func @transform_8(%arg0: i32, %arg1: i32) -> (i32, i32) {
    %c0_i32 = arith.constant 0 : i32
    %c0_i32_0 = arith.constant 0 : i32
    %c0_i32_1 = arith.constant 0 : i32
    return %c0_i32, %c0_i32_0 : i32, i32
  }
}

module attributes {stable_mosaic.version = 14 : i64} {
  func.func @_mlp_body(%arg0: i32, %arg1: i32, %arg2: memref<4096x128xf32, #tpu.memory_space<vmem>>, %arg3: memref<4096x128xf32, #tpu.memory_space<vmem>>, %arg4: memref<4096x128xf32, #tpu.memory_space<vmem>>, %arg5: memref<1x8x4096xf32, #tpu.memory_space<vmem>>, %arg6: memref<1x64x4096xf32, #tpu.memory_space<vmem>>, %arg7: memref<128x192xf32, #tpu.memory_space<vmem>>, %arg8: memref<128x1xf32, #tpu.memory_space<vmem>>, %arg9: memref<8x128x8192xf32, #tpu.memory_space<any>>, %arg10: memref<1x128x4096xf32, #tpu.memory_space<vmem>>, %arg11: memref<128x2xf32, #tpu.memory_space<vmem>>) attributes {dimension_semantics = [#tpu.dimension_semantics<arbitrary>, #tpu.dimension_semantics<arbitrary>], iteration_bounds = array<i64: 4, 2>, scalar_prefetch = 0 : i64, scratch_operands = 0 : i64, tpu.core_type = #tpu.core_type<tc>, window_params = [{transform_indices = @transform_0, window_bounds = array<i64: 4096, 128>}, {transform_indices = @transform_1, window_bounds = array<i64: 4096, 128>}, {transform_indices = @transform_2, window_bounds = array<i64: 4096, 128>}, {transform_indices = @transform_3, window_bounds = array<i64: 1, 8, 4096>}, {transform_indices = @transform_4, window_bounds = array<i64: 1, 64, 4096>}, {pipeline_mode = #tpu.pipeline_mode<synchronous>, transform_indices = @transform_5, window_bounds = array<i64: 128, 192>}, {pipeline_mode = #tpu.pipeline_mode<synchronous>, transform_indices = @transform_6, window_bounds = array<i64: 128, 1>}, {}, {transform_indices = @transform_8, window_bounds = array<i64: 1, 128, 4096>}, {pipeline_mode = #tpu.pipeline_mode<synchronous>, transform_indices = @transform_9, window_bounds = array<i64: 128, 2>}]} {
    %get3A = arith.constant 0 : index
    %get3A_0 = arith.constant 0 : index
    %get3A_1 = arith.constant 0 : index
    %get3A_2 = vector.load %arg5[%get3A, %get3A_0, %get3A_1] : memref<1x8x4096xf32, #tpu.memory_space<vmem>>, vector<1x8x4096xf32>
    %get3A_3 = vector.shape_cast %get3A_2 : vector<1x8x4096xf32> to vector<8x4096xf32>
    %transpose3A = tpu.transpose %get3A_3, [1, 0] : vector<8x4096xf32> -> vector<4096x8xf32>
    %get3A_4 = arith.constant 0 : index
    %get3A_5 = arith.constant 0 : index
    %get3A_6 = vector.load %arg2[%get3A_4, %get3A_5] : memref<4096x128xf32, #tpu.memory_space<vmem>>, vector<4096x128xf32>
    %slice3A = vector.extract_strided_slice %transpose3A {offsets = [0, 0], sizes = [4096, 1], strides = [1, 1]} : vector<4096x8xf32> to vector<4096x1xf32>
    %mul3A = vector.broadcast %slice3A : vector<4096x1xf32> to vector<4096x128xf32>
    %mul3A_7 = arith.mulf %get3A_6, %mul3A : vector<4096x128xf32>
    %get3A_8 = arith.constant 0 : index
    %get3A_9 = arith.constant 0 : index
    %get3A_10 = vector.load %arg3[%get3A_8, %get3A_9] : memref<4096x128xf32, #tpu.memory_space<vmem>>, vector<4096x128xf32>
    %slice3A_11 = vector.extract_strided_slice %transpose3A {offsets = [0, 1], sizes = [4096, 1], strides = [1, 1]} : vector<4096x8xf32> to vector<4096x1xf32>
    %mul3A_12 = vector.broadcast %slice3A_11 : vector<4096x1xf32> to vector<4096x128xf32>
    %mul3A_13 = arith.mulf %get3A_10, %mul3A_12 : vector<4096x128xf32>
    %add3A = arith.addf %mul3A_7, %mul3A_13 : vector<4096x128xf32>
    %get3A_14 = arith.constant 0 : index
    %get3A_15 = arith.constant 0 : index
    %get3A_16 = vector.load %arg4[%get3A_14, %get3A_15] : memref<4096x128xf32, #tpu.memory_space<vmem>>, vector<4096x128xf32>
    %slice3A_17 = vector.extract_strided_slice %transpose3A {offsets = [0, 2], sizes = [4096, 1], strides = [1, 1]} : vector<4096x8xf32> to vector<4096x1xf32>
    %mul3A_18 = vector.broadcast %slice3A_17 : vector<4096x1xf32> to vector<4096x128xf32>
    %mul3A_19 = arith.mulf %get3A_16, %mul3A_18 : vector<4096x128xf32>
    %add3A_20 = arith.addf %add3A, %mul3A_19 : vector<4096x128xf32>
    %get3A_21 = arith.constant 0 : index
    %get3A_22 = arith.constant 0 : index
    %get3A_23 = arith.constant 0 : index
    %get3A_24 = vector.load %arg6[%get3A_21, %get3A_22, %get3A_23] : memref<1x64x4096xf32, #tpu.memory_space<vmem>>, vector<1x64x4096xf32>
    %get3A_25 = vector.shape_cast %get3A_24 : vector<1x64x4096xf32> to vector<64x4096xf32>
    %get3A_26 = arith.constant 0 : index
    %get3A_27 = arith.constant 0 : index
    %get3A_28 = vector.load %arg7[%get3A_26, %get3A_27] : memref<128x192xf32, #tpu.memory_space<vmem>>, vector<128x192xf32>
    %slice3A_29 = vector.extract_strided_slice %get3A_28 {offsets = [0, 0], sizes = [128, 128], strides = [1, 1]} : vector<128x192xf32> to vector<128x128xf32>
    %dot_general3A = arith.constant dense<0.000000e+00> : vector<128x4096xf32>
    %dot_general3A_30 = tpu.matmul %slice3A_29, %add3A_20, %dot_general3A {dimension_numbers = #tpu.dot_dimension_numbers<[1], [1], [0], [0], [0, 0, 1, 0], [], []>, transpose_lhs_hint = false} : vector<128x128xf32>, vector<4096x128xf32>, vector<128x4096xf32> -> vector<128x4096xf32>
    %slice3A_31 = vector.extract_strided_slice %get3A_28 {offsets = [0, 128], sizes = [128, 64], strides = [1, 1]} : vector<128x192xf32> to vector<128x64xf32>
    %dot_general3A_32 = arith.constant dense<0.000000e+00> : vector<128x4096xf32>
    %dot_general3A_33 = tpu.matmul %slice3A_31, %get3A_25, %dot_general3A_32 {dimension_numbers = #tpu.dot_dimension_numbers<[1], [0], [0], [1], [0, 0, 1, 1], [], []>, transpose_lhs_hint = false} : vector<128x64xf32>, vector<64x4096xf32>, vector<128x4096xf32> -> vector<128x4096xf32>
    %add3A_34 = arith.addf %dot_general3A_30, %dot_general3A_33 : vector<128x4096xf32>
    %get3A_35 = arith.constant 0 : index
    %get3A_36 = arith.constant 0 : index
    %get3A_37 = vector.load %arg8[%get3A_35, %get3A_36] : memref<128x1xf32, #tpu.memory_space<vmem>>, vector<128x1xf32>
    %add3A_38 = vector.broadcast %get3A_37 : vector<128x1xf32> to vector<128x4096xf32>
    %add3A_39 = arith.addf %add3A_34, %add3A_38 : vector<128x4096xf32>
    %swap3A = arith.constant 0 : index
    %swap3A_40 = arith.constant 0 : index
    %swap3A_41 = arith.constant 0 : index
    %swap3A_42 = vector.load %arg10[%swap3A, %swap3A_40, %swap3A_41] : memref<1x128x4096xf32, #tpu.memory_space<vmem>>, vector<1x128x4096xf32>
    %swap3A_43 = vector.shape_cast %swap3A_42 : vector<1x128x4096xf32> to vector<128x4096xf32>
    %swap3A_44 = vector.shape_cast %add3A_39 : vector<128x4096xf32> to vector<1x128x4096xf32>
    tpu.vector_store %arg10[%swap3A, %swap3A_40, %swap3A_41], %swap3A_44 {strides = array<i32>} : memref<1x128x4096xf32, #tpu.memory_space<vmem>>, vector<1x128x4096xf32>,
    %reduce_sum3A = arith.constant dense<0.000000e+00> : vector<128xf32>
    %reduce_sum3A_45 = vector.multi_reduction <add>, %add3A_39, %reduce_sum3A [1] : vector<128x4096xf32> to vector<128xf32>
    %broadcast_in_dim3A = vector.shape_cast %reduce_sum3A_45 : vector<128xf32> to vector<128x1xf32>
    %mul3A_46 = arith.mulf %add3A_39, %add3A_39 : vector<128x4096xf32>
    %reduce_sum3A_47 = arith.constant dense<0.000000e+00> : vector<128xf32>
    %reduce_sum3A_48 = vector.multi_reduction <add>, %mul3A_46, %reduce_sum3A_47 [1] : vector<128x4096xf32> to vector<128xf32>
    %broadcast_in_dim3A_49 = vector.shape_cast %reduce_sum3A_48 : vector<128xf32> to vector<128x1xf32>
    %concatenate3A = tpu.concatenate %broadcast_in_dim3A, %broadcast_in_dim3A_49 in 1 : vector<128x1xf32>, vector<128x1xf32> -> vector<128x2xf32>
    %eq3A = arith.constant 0 : i32
    %eq3A_50 = arith.cmpi eq, %arg0, %eq3A : i32
    %eq3A_51 = arith.constant 0 : i32
    %eq3A_52 = arith.cmpi eq, %arg1, %eq3A_51 : i32
    %and3A = arith.andi %eq3A_50, %eq3A_52 : i1
    %convert_element_type3A = arith.extui %and3A : i1 to i32
    %cond3A = arith.constant 0 : i32
    %cond3A_53 = arith.cmpi ne, %convert_element_type3A, %cond3A : i32
    scf.if %cond3A_53 {
      %broadcast_in_dim3A_61 = arith.constant 0.000000e+00 : f32
      %broadcast_in_dim3A_62 = vector.broadcast %broadcast_in_dim3A_61 : f32 to vector<128x2xf32>
      %swap3A_63 = arith.constant 0 : index
      %swap3A_64 = arith.constant 0 : index
      %swap3A_65 = vector.load %arg11[%swap3A_63, %swap3A_64] : memref<128x2xf32, #tpu.memory_space<vmem>>, vector<128x2xf32>
      tpu.vector_store %arg11[%swap3A_63, %swap3A_64], %broadcast_in_dim3A_62 {strides = array<i32>} : memref<128x2xf32, #tpu.memory_space<vmem>>, vector<128x2xf32>,
    } else {
    }
    %get3A_54 = arith.constant 0 : index
    %get3A_55 = arith.constant 0 : index
    %get3A_56 = vector.load %arg11[%get3A_54, %get3A_55] : memref<128x2xf32, #tpu.memory_space<vmem>>, vector<128x2xf32>
    %add3A_57 = arith.addf %get3A_56, %concatenate3A : vector<128x2xf32>
    %swap3A_58 = arith.constant 0 : index
    %swap3A_59 = arith.constant 0 : index
    %swap3A_60 = vector.load %arg11[%swap3A_58, %swap3A_59] : memref<128x2xf32, #tpu.memory_space<vmem>>, vector<128x2xf32>
    tpu.vector_store %arg11[%swap3A_58, %swap3A_59], %add3A_57 {strides = array<i32>} : memref<128x2xf32, #tpu.memory_space<vmem>>, vector<128x2xf32>,
    return
  }
  func.func @transform_0(%arg0: i32, %arg1: i32) -> (i32, i32) {
    %mul3A = arith.constant 2 : i32
    %mul3A_0 = arith.muli %arg0, %mul3A : i32
    %add3A = arith.addi %mul3A_0, %arg1 : i32
    %c0_i32 = arith.constant 0 : i32
    %c0_i32_1 = arith.constant 0 : i32
    return %add3A, %c0_i32 : i32, i32
  }
  func.func @transform_1(%arg0: i32, %arg1: i32) -> (i32, i32) {
    %mul3A = arith.constant 2 : i32
    %mul3A_0 = arith.muli %arg0, %mul3A : i32
    %add3A = arith.addi %mul3A_0, %arg1 : i32
    %c0_i32 = arith.constant 0 : i32
    %c0_i32_1 = arith.constant 0 : i32
    return %add3A, %c0_i32 : i32, i32
  }
  func.func @transform_2(%arg0: i32, %arg1: i32) -> (i32, i32) {
    %mul3A = arith.constant 2 : i32
    %mul3A_0 = arith.muli %arg0, %mul3A : i32
    %add3A = arith.addi %mul3A_0, %arg1 : i32
    %c0_i32 = arith.constant 0 : i32
    %c0_i32_1 = arith.constant 0 : i32
    return %add3A, %c0_i32 : i32, i32
  }
  func.func @transform_3(%arg0: i32, %arg1: i32) -> (i32, i32, i32) {
    %mul3A = arith.constant 2 : i32
    %mul3A_0 = arith.muli %arg0, %mul3A : i32
    %add3A = arith.addi %mul3A_0, %arg1 : i32
    %c0_i32 = arith.constant 0 : i32
    %c0_i32_1 = arith.constant 0 : i32
    %c0_i32_2 = arith.constant 0 : i32
    return %add3A, %c0_i32, %c0_i32_1 : i32, i32, i32
  }
  func.func @transform_4(%arg0: i32, %arg1: i32) -> (i32, i32, i32) {
    %add3A = arith.constant 4 : i32
    %add3A_0 = arith.addi %arg0, %add3A : i32
    %c0_i32 = arith.constant 0 : i32
    %c0_i32_1 = arith.constant 0 : i32
    return %add3A_0, %c0_i32, %arg1 : i32, i32, i32
  }
  func.func @transform_5(%arg0: i32, %arg1: i32) -> (i32, i32) {
    %c0_i32 = arith.constant 0 : i32
    %c0_i32_0 = arith.constant 0 : i32
    %c0_i32_1 = arith.constant 0 : i32
    return %c0_i32, %c0_i32_0 : i32, i32
  }
  func.func @transform_6(%arg0: i32, %arg1: i32) -> (i32, i32) {
    %c0_i32 = arith.constant 0 : i32
    %c0_i32_0 = arith.constant 0 : i32
    %c0_i32_1 = arith.constant 0 : i32
    return %c0_i32, %c0_i32_0 : i32, i32
  }
  func.func @transform_8(%arg0: i32, %arg1: i32) -> (i32, i32, i32) {
    %add3A = arith.constant 4 : i32
    %add3A_0 = arith.addi %arg0, %add3A : i32
    %c0_i32 = arith.constant 0 : i32
    %c0_i32_1 = arith.constant 0 : i32
    return %add3A_0, %c0_i32, %arg1 : i32, i32, i32
  }
  func.func @transform_9(%arg0: i32, %arg1: i32) -> (i32, i32) {
    %c0_i32 = arith.constant 0 : i32
    %c0_i32_0 = arith.constant 0 : i32
    %c0_i32_1 = arith.constant 0 : i32
    return %c0_i32, %c0_i32_0 : i32, i32
  }
}

module attributes {stable_mosaic.version = 14 : i64} {
  func.func @_bn_body(%arg0: i32, %arg1: i32, %arg2: memref<1x128x4096xf32, #tpu.memory_space<vmem>>, %arg3: memref<128x2xf32, #tpu.memory_space<vmem>>, %arg4: memref<128x1xf32, #tpu.memory_space<vmem>>, %arg5: memref<128x1xf32, #tpu.memory_space<vmem>>, %arg6: memref<1x128x4096xf32, #tpu.memory_space<vmem>>) attributes {dimension_semantics = [#tpu.dimension_semantics<arbitrary>, #tpu.dimension_semantics<arbitrary>], iteration_bounds = array<i64: 8, 2>, scalar_prefetch = 0 : i64, scratch_operands = 0 : i64, tpu.core_type = #tpu.core_type<tc>, window_params = [{transform_indices = @transform_0, window_bounds = array<i64: 1, 128, 4096>}, {pipeline_mode = #tpu.pipeline_mode<synchronous>, transform_indices = @transform_1, window_bounds = array<i64: 128, 2>}, {pipeline_mode = #tpu.pipeline_mode<synchronous>, transform_indices = @transform_2, window_bounds = array<i64: 128, 1>}, {pipeline_mode = #tpu.pipeline_mode<synchronous>, transform_indices = @transform_3, window_bounds = array<i64: 128, 1>}, {transform_indices = @transform_4, window_bounds = array<i64: 1, 128, 4096>}]} {
    %get3A = arith.constant 0 : index
    %get3A_0 = arith.constant 0 : index
    %get3A_1 = vector.load %arg3[%get3A, %get3A_0] : memref<128x2xf32, #tpu.memory_space<vmem>>, vector<128x1xf32>
    %div3A = arith.constant 6.553600e+04 : f32
    %div3A_2 = vector.broadcast %div3A : f32 to vector<128x1xf32>
    %div3A_3 = arith.divf %get3A_1, %div3A_2 : vector<128x1xf32>
    %get3A_4 = arith.constant 0 : index
    %get3A_5 = arith.constant 1 : index
    %get3A_6 = vector.load %arg3[%get3A_4, %get3A_5] : memref<128x2xf32, #tpu.memory_space<vmem>>, vector<128x1xf32>
    %div3A_7 = arith.constant 6.553600e+04 : f32
    %div3A_8 = vector.broadcast %div3A_7 : f32 to vector<128x1xf32>
    %div3A_9 = arith.divf %get3A_6, %div3A_8 : vector<128x1xf32>
    %mul3A = arith.mulf %div3A_3, %div3A_3 : vector<128x1xf32>
    %sub3A = arith.subf %div3A_9, %mul3A : vector<128x1xf32>
    %get3A_10 = arith.constant 0 : index
    %get3A_11 = arith.constant 0 : index
    %get3A_12 = vector.load %arg4[%get3A_10, %get3A_11] : memref<128x1xf32, #tpu.memory_space<vmem>>, vector<128x1xf32>
    %add3A = arith.constant 9.99999974E-6 : f32
    %add3A_13 = vector.broadcast %add3A : f32 to vector<128x1xf32>
    %add3A_14 = arith.addf %sub3A, %add3A_13 : vector<128x1xf32>
    %rsqrt3A = math.rsqrt %add3A_14 : vector<128x1xf32>
    %mul3A_15 = arith.mulf %get3A_12, %rsqrt3A : vector<128x1xf32>
    %get3A_16 = arith.constant 0 : index
    %get3A_17 = arith.constant 0 : index
    %get3A_18 = vector.load %arg5[%get3A_16, %get3A_17] : memref<128x1xf32, #tpu.memory_space<vmem>>, vector<128x1xf32>
    %mul3A_19 = arith.mulf %div3A_3, %mul3A_15 : vector<128x1xf32>
    %sub3A_20 = arith.subf %get3A_18, %mul3A_19 : vector<128x1xf32>
    %get3A_21 = arith.constant 0 : index
    %get3A_22 = arith.constant 0 : index
    %get3A_23 = arith.constant 0 : index
    %get3A_24 = vector.load %arg2[%get3A_21, %get3A_22, %get3A_23] : memref<1x128x4096xf32, #tpu.memory_space<vmem>>, vector<1x128x4096xf32>
    %get3A_25 = vector.shape_cast %get3A_24 : vector<1x128x4096xf32> to vector<128x4096xf32>
    %mul3A_26 = vector.broadcast %mul3A_15 : vector<128x1xf32> to vector<128x4096xf32>
    %mul3A_27 = arith.mulf %get3A_25, %mul3A_26 : vector<128x4096xf32>
    %add3A_28 = vector.broadcast %sub3A_20 : vector<128x1xf32> to vector<128x4096xf32>
    %add3A_29 = arith.addf %mul3A_27, %add3A_28 : vector<128x4096xf32>
    %max3A = arith.constant 0.000000e+00 : f32
    %max3A_30 = vector.broadcast %max3A : f32 to vector<128x4096xf32>
    %max3A_31 = arith.maximumf %add3A_29, %max3A_30 : vector<128x4096xf32>
    %swap3A = arith.constant 0 : index
    %swap3A_32 = arith.constant 0 : index
    %swap3A_33 = arith.constant 0 : index
    %swap3A_34 = vector.load %arg6[%swap3A, %swap3A_32, %swap3A_33] : memref<1x128x4096xf32, #tpu.memory_space<vmem>>, vector<1x128x4096xf32>
    %swap3A_35 = vector.shape_cast %swap3A_34 : vector<1x128x4096xf32> to vector<128x4096xf32>
    %swap3A_36 = vector.shape_cast %max3A_31 : vector<128x4096xf32> to vector<1x128x4096xf32>
    tpu.vector_store %arg6[%swap3A, %swap3A_32, %swap3A_33], %swap3A_36 {strides = array<i32>} : memref<1x128x4096xf32, #tpu.memory_space<vmem>>, vector<1x128x4096xf32>,
    return
  }
  func.func @transform_0(%arg0: i32, %arg1: i32) -> (i32, i32, i32) {
    %c0_i32 = arith.constant 0 : i32
    %c0_i32_0 = arith.constant 0 : i32
    return %arg0, %c0_i32, %arg1 : i32, i32, i32
  }
  func.func @transform_1(%arg0: i32, %arg1: i32) -> (i32, i32) {
    %c0_i32 = arith.constant 0 : i32
    %c0_i32_0 = arith.constant 0 : i32
    %c0_i32_1 = arith.constant 0 : i32
    return %c0_i32, %c0_i32_0 : i32, i32
  }
  func.func @transform_2(%arg0: i32, %arg1: i32) -> (i32, i32) {
    %c0_i32 = arith.constant 0 : i32
    %c0_i32_0 = arith.constant 0 : i32
    %c0_i32_1 = arith.constant 0 : i32
    return %c0_i32, %c0_i32_0 : i32, i32
  }
  func.func @transform_3(%arg0: i32, %arg1: i32) -> (i32, i32) {
    %c0_i32 = arith.constant 0 : i32
    %c0_i32_0 = arith.constant 0 : i32
    %c0_i32_1 = arith.constant 0 : i32
    return %c0_i32, %c0_i32_0 : i32, i32
  }
  func.func @transform_4(%arg0: i32, %arg1: i32) -> (i32, i32, i32) {
    %c0_i32 = arith.constant 0 : i32
    %c0_i32_0 = arith.constant 0 : i32
    return %arg0, %c0_i32, %arg1 : i32, i32, i32
  }
}

</mosaic_0001>

<sc_bundles>
// kernel: kernel.12.cloned.1.call-start
scs
__scs_entry_jumppad:
0x0: {  	(pc) =	sbr.rel $0x88, $3  }
0x1: {  	(tag) =	ssettag $0x0;
	lr =	simm.s32 $0x1  }
0x2: {  	[smem:$0x3F99] =	sst lr;
	_ =	strace $0xD0000000  }
0x3: {  	_ = 	snop  }
0x4: {  	_ = 	snop  }
0x5: {  	_ = 	snop  }
0x6: {  	_ = 	snop  }
0x7: {  	_ = 	snop  }
__scs_overlays_trampoline_lowered:
0x8: {  	[smem:$0x3FA8] =	sst s0  }
0x9: {  	[smem:$0x3FA9] =	sst s1  }
0xa: {  	[smem:$0x3FAA] =	sst s2  }
0xb: {  	[smem:$0x3FAB] =	sst s3  }
0xc: {  	[smem:$0x3FAC] =	sst s4  }
0xd: {  	[smem:$0x3FAD] =	sst s5  }
0xe: {  	[smem:$0x3FAE] =	sst s6  }
0xf: {  	[smem:$0x3FAF] =	sst s7  }
0x10: {  	[smem:$0x3FB0] =	sst s8  }
0x11: {  	[smem:$0x3FB1] =	sst s9;
	s0 =	simm.s32 @!p0 $0x0  }
0x12: {  	s1 =	sld [smem:$0x3F97];
	s0 =	simm.s32 @p0 $0x1  }
0x13: {  	[smem:$0x3FB2] =	sst s0;
	s0 =	simm.s32 @!p1 $0x0  }
0x14: {  	s2 =	sld [smem:$0x3F96];
	s0 =	simm.s32 @p1 $0x1  }
0x15: {  	[smem:$0x3FB3] =	sst s0;
	s0 =	simm.s32 @!p2 $0x0  }
0x16: {  	s3 =	sld [smem:$0x3FDB];
	s0 =	simm.s32 @p2 $0x1  }
0x17: {  	s4 =	simm.s32 $0x1BF5;
	[smem:$0x3FB5] =	sst s0  }
0x18: {  	s0 =	sld [smem:$0x3F98];
	_ =	swait.ge [sflag:s4], $0x0  }
0x19: {  	s7 =	sld [smem:$0x3F99]  }
0x1a: {  	s8 =	sadd.s32 $0xFFFFE003, lr  }
0x1b: {  	s9 =	sadd.s32 $0xFFFFFEF7, lr;
	s5 =	simm.s32 $0xFFFFFFFF;
	p2 =	slt.u32 s8, $0xFFFFF086  }
0x1c: {  	p1 =	slt.u32 s9, $0xF7A;
	s5 =	simm.s32 @!p2 $0x0  }
0x1d: {  	s5 =	simm.s32 @p1 $0x1;
	p0 =	seq.s32 s7, s2  }
0x1e: {  	s7 =	smul.u32 @!p0 $0xF7A, s2;
	p2 =	seq.s32 @!p0 s5, $0x0  }
0x1f: {  	s9 =	smul.u32 $0xF7A, s1;
	s8 =	simm.s32 @!p0 $0x1BF5;
	p2 =	por !p2, p0  }
0x20: {  	[sflag:s8] =	ssyncset.s32 @!p0 $0xFFFFF086;
	s6 =	sadd.s32 @!p0 s3, s7;
	s7 =	simm.s32 @!p0 $0x108  }
0x21: {  	s3 =	sadd.s32 s3, s9;
	s6 =	sadd.s32 @!p0 $0x88, s6;
	s7 =	simm.s32 @p2 $0x1082  }
0x22: {  	[simem:s7], [sflag:s8] =	dma.local @!p0 [hbm:s6], $0xF7A  }
0x23: {  	s9 =	sor.u32 $0xD0000000, s2;
	s6 =	simm.s32 $0x108;
	_ =	swait.ge @!p0 [sflag:s8], $0x0  }
0x24: {  	s3 =	sadd.s32 $0x88, s3;
	s6 =	simm.s32 @!p1 $0x1082;
	[sflag:s4] =	ssyncset.s32 $0xFFFFF086  }
0x25: {  	[simem:s6], [sflag:s4] =	dma.local [hbm:s3], $0xF7A  }
0x26: {  	[smem:$0x3F99] =	sst s1;
	(tag) =	ssettag s2;
	_ =	strace s9  }
0x27: {  	s1 =	sld [smem:$0x3FA9]  }
0x28: {  	s2 =	sld [smem:$0x3FAA]  }
0x29: {  	s4 =	sld [smem:$0x3FAC]  }
0x2a: {  	p0 =	seq.s32 s5, $0x0;
	s5 =	sld [smem:$0x3FAD]  }
0x2b: {  	s6 =	sld [smem:$0x3FAE]  }
0x2c: {  	s7 =	sld [smem:$0x3FAF]  }
0x2d: {  	s3 =	simm.s32 $0x108;
	s8 =	sld [smem:$0x3FB0]  }
0x2e: {  	s3 =	simm.s32 @!p0 $0x1082;
	s9 =	sld [smem:$0x3FB1]  }
0x2f: {  	lr =	sadd.s32 s0, s3;
	s0 =	sld [smem:$0x3FA8]  }
0x30: {  	s3 =	sld [smem:$0x3FAB]  }
0x31: {  	[smem:$0x3FB4] =	sst s10  }
0x32: {  	s10 =	sld [smem:$0x3FB2];
	_ =	sdelay $0x3  }
0x33: {  	p0 =	seq.s32 s10, $0x1;
	s10 =	sld [smem:$0x3FB4];
	_ =	sdelay $0x3  }
0x34: {  	[smem:$0x3FB4] =	sst s10  }
0x35: {  	s10 =	sld [smem:$0x3FB3];
	_ =	sdelay $0x3  }
0x36: {  	p1 =	seq.s32 s10, $0x1;
	s10 =	sld [smem:$0x3FB4];
	_ =	sdelay $0x3  }
0x37: {  	[smem:$0x3FB4] =	sst s10  }
0x38: {  	s10 =	sld [smem:$0x3FB5]  }
0x39: {  	_ = 	snop;
	(pc) =	sbr.ind lr, $3  }
0x3a: {  	_ = 	snop  }
0x3b: {  	_ = 	snop  }
0x3c: {  	p2 =	seq.s32 s10, $0x1;
	s10 =	sld [smem:$0x3FB4]  }
0x3d: {  	_ =	shalt  }
0x3e: {  	_ =	shalt  }
0x3f: {  	_ =	shalt  }
0x40: {  	_ =	shalt  }
0x41: {  	_ =	shalt  }
0x42: {  	_ =	shalt  }
0x43: {  	_ =	shalt  }
0x44: {  	_ =	shalt  }
0x45: {  	_ =	shalt  }
0x46: {  	_ =	shalt  }
0x47: {  	_ =	shalt  }
0x48: {  	_ =	shalt  }
0x49: {  	_ =	shalt  }
0x4a: {  	_ =	shalt  }
0x4b: {  	_ =	shalt  }
0x4c: {  	_ =	shalt  }
0x4d: {  	_ =	shalt  }
0x4e: {  	_ =	shalt  }
0x4f: {  	_ =	shalt  }
0x50: {  	_ =	shalt  }
0x51: {  	_ =	shalt  }
0x52: {  	_ =	shalt  }
0x53: {  	_ =	shalt  }
0x54: {  	_ =	shalt  }
0x55: {  	_ =	shalt  }
0x56: {  	_ =	shalt  }
0x57: {  	_ =	shalt  }
0x58: {  	_ =	shalt  }
0x59: {  	_ =	shalt  }
0x5a: {  	_ =	shalt  }
0x5b: {  	_ =	shalt  }
0x5c: {  	_ =	shalt  }
0x5d: {  	_ =	shalt  }
0x5e: {  	_ =	shalt  }
0x5f: {  	_ =	shalt  }
0x60: {  	_ =	shalt  }
0x61: {  	_ =	shalt  }
0x62: {  	_ =	shalt  }
0x63: {  	_ =	shalt  }
0x64: {  	_ =	shalt  }
0x65: {  	_ =	shalt  }
0x66: {  	_ =	shalt  }
0x67: {  	_ =	shalt  }
0x68: {  	_ =	shalt  }
0x69: {  	_ =	shalt  }
0x6a: {  	_ =	shalt  }
0x6b: {  	_ =	shalt  }
0x6c: {  	_ =	shalt  }
0x6d: {  	_ =	shalt  }
0x6e: {  	_ =	shalt  }
0x6f: {  	_ =	shalt  }
0x70: {  	_ =	shalt  }
0x71: {  	_ =	shalt  }
0x72: {  	_ =	shalt  }
0x73: {  	_ =	shalt  }
0x74: {  	_ =	shalt  }
0x75: {  	_ =	shalt  }
0x76: {  	_ =	shalt  }
0x77: {  	_ =	shalt  }
0x78: {  	_ =	shalt  }
0x79: {  	_ =	shalt  }
0x7a: {  	_ =	shalt  }
0x7b: {  	_ =	shalt  }
0x7c: {  	_ =	shalt  }
0x7d: {  	_ =	shalt  }
0x7e: {  	_ =	shalt  }
0x7f: {  	_ =	shalt  }
0x80: {  	_ =	shalt  }
0x81: {  	_ =	shalt  }
0x82: {  	_ =	shalt  }
0x83: {  	_ =	shalt  }
0x84: {  	_ =	shalt  }
0x85: {  	_ =	shalt  }
0x86: {  	_ =	shalt  }
0x87: {  	_ =	shalt  }
.Lfunc_end0:
.L_simem_size_0:
called_computation.1_lowered:
.L_overlay_start_0:
0x88: {  	s2 =	sld [smem:$0x3FD9]  }
0x89: {  	s3 =	sld [smem:$0x3FFE];
	_ =	sdelay $0x1  }
0x8a: {  	s1 =	srdreg.scid  }
0x8b: {  	s0 =	sand.u32 $0x1, s1  }
0x8c: {  	s17 =	sshll.u32 s0, $0xA;
	s2 =	sadd.s32 s3, s2  }
0x8d: {  	s2 =	sadd.s32 s2, s17  }
0x8e: {  	[smem:$0x3FC0] =	sst s2  }
0x8f: {  	_ = 	snop  }
0x90: {  	s18 =	sld [smem:$0x3FD0];
	(tm) =	ssettm $0x1  }
0x91: {  	s19 =	sld [smem:$0x3FFB];
	_ =	sdelay $0x3  }
0x92: {  	_ =	strace s19  }
0x93: {  	s2 =	sld [smem:$0x3FFC];
	_ =	sdelay $0x3  }
0x94: {  	_ =	strace s2  }
0x95: {  	s2 =	sld [smem:$0x3FFD];
	_ =	sdelay $0x3  }
0x96: {  	_ =	strace s2  }
0x97: {  	_ =	strace $0x8FFFFFFF  }
0x98: {  	s20 =	sld [smem:$0x3FDB];
	_ =	sdelay $0x1  }
0x99: {  	s4 =	simm.s32 $_scs_section_size  }
0x9a: {  	s5 =	simm.s32 $_size__tile_overlayer_lowered;
	s6 =	simm.s32 $_tile_overlayer_lowered  }
0x9b: {  	s7 =	simm.s32 $0x1BFF;
	s21 =	sshll.u32 s6, $0x1;
	s4 =	sadd.s32 s4, s20  }
0x9c: {  	s22 =	simm.s32 $0x0;
	s5 =	sshll.u32 s5, $0x1;
	s6 =	sadd.s32 s21, s4  }
0x9d: {  	[timem:s22], [sflag:s7] =	dma.local [hbm:s6], s5  }
0x9e: {  	_ =	swait.ge [sflag:s7], s5  }
0x9f: {  	s5 =	ssub.s32 $0x0, s5;
	[sflag:s7] =	ssyncset.done $0x0  }
0xa0: {  	[sflag:s7] =	ssyncadd.s32 s5;
	_ =	sdelay $0x1  }
0xa1: {  	s23 =	simm.s32 $0x1B8B  }
0xa2: {  	_ =	swait.ge [sflag:s23], $0x1  }
0xa3: {  	[sflag:s23] =	ssyncset.done $0x0  }
0xa4: {  	[sflag:s23] =	ssyncadd.s32 $0xFFFFFFFF  }
0xa5: {  	s5 =	sld [smem:$0x0]  }
0xa6: {  	s6 =	sand.u32 $0xFFFFFFFE, s1  }
0xa7: {  	p0 =	sne.s32 s1, s6  }
0xa8: {  	s6 =	sshll.u32 @p0 s6, $0xE  }
0xa9: {  	s6 =	sadd.s32 @p0 $0x11B8D, s6;
	s7 =	sshll.u32 @p0 s5, $0x11  }
0xaa: {  	s6 =	sor.u32 @p0 s7, s6  }
0xab: {  	[sflag:s6] =	ssyncadd.remote.s32 @p0 $0x1;
	_ =	sdelay $0x1  }
0xac: {  	s6 =	simm.s32 @p0 $0x1B8D  }
0xad: {  	_ =	swait.eq @p0 [sflag:s6], $0x1  }
0xae: {  	[sflag:s6] =	ssyncadd.s32 @p0 $0xFFFFFFFF  }
0xaf: {  	s7 =	sshll.u32 @!p0 s1, $0xE  }
0xb0: {  	s7 =	sor.u32 @!p0 $0x4000, s7;
	s6 =	simm.s32 @!p0 $0x1B8D  }
0xb1: {  	s5 =	sshll.u32 @!p0 s5, $0x11;
	s7 =	sadd.s32 @!p0 $0x11B8D, s7;
	_ =	swait.eq @!p0 [sflag:s6], $0x1  }
0xb2: {  	s5 =	sor.u32 @!p0 s5, s7;
	[sflag:s6] =	ssyncadd.s32 @!p0 $0xFFFFFFFF  }
0xb3: {  	s25 =	simm.s32 $0x1B8E;
	s24 =	sld [smem:$0x3FFE];
	[sflag:s5] =	ssyncadd.remote.s32 @!p0 $0x1  }
0xb4: {  	s26 =	simm.s32 $execute0_lowered;
	[smem:$0x3FD2] =	sst s25  }
0xb5: {  	s6 =	sshll.u32 s26, $0x1;
	_ =	strace $0x80000049;
	[dreg:$0x1] =	wrdreg $0xFFFFFFFF  }
0xb6: {  	s28 =	simm.s32 $_size_execute0_lowered;
	s4 =	sadd.s32 s4, s6;
	[dreg:$0x0] =	wrdreg $0x0  }
0xb7: {  	s6 =	sshll.u32 s28, $0x1;
	[dreg:$0x2] =	wrdreg s4  }
0xb8: {  	[dreg:$0x3] =	wrdreg s6  }
0xb9: {  	[dreg:$0x4] =	wrdreg $0xC0  }
0xba: {  	_ =	task [dreg:s22], $0x5FFFF  }
0xbb: {  	[dreg:$0x1] =	wrdreg $0xFFFFFFFF  }
0xbc: {  	[dreg:$0x0] =	wrdreg $0x60  }
0xbd: {  	[dreg:$0x2] =	wrdreg s24  }
0xbe: {  	[dreg:$0x3] =	wrdreg s18  }
0xbf: {  	[dreg:$0x4] =	wrdreg $0xA  }
0xc0: {  	_ =	task.clear_ibuf [dreg:s22], $0x5FFFF;
	_ =	strace $0x90000049  }
0xc1: {  	s29 =	simm.s32 $0xA;
	_ =	strace $0x8000004B  }
0xc2: {  	_ =	swait.ge [sflag:s29], $0x1  }
0xc3: {  	[sflag:s29] =	ssyncadd.s32 $0xFFFFFFFF  }
0xc4: {  	_ =	strace $0x9000004B  }
0xc5: {  	_ =	sfence  }
0xc6: {  	s30 =	sld [smem:$0x0];
	_ =	sdelay $0x2  }
0xc7: {  	s31 =	sshll.u32 s1, $0xD;
	s1 =	sshrl.u32 s1, $0x2  }
0xc8: {  	s4 =	sand.u32 $0x4000, s31;
	s1 =	sadd.s32 s1, s30  }
0xc9: {  	s0 =	sor.u32 s4, s0;
	s1 =	sshll.u32 s1, $0x11  }
0xca: {  	s0 =	sor.u32 s1, s0  }
0xcb: {  	s0 =	sadd.s32 $0x8F2B, s0  }
0xcc: {  	[sflag:s0] =	ssyncadd.remote.s32 $0x1  }
0xcd: {  	_ =	sfence.sel $0xFFFF  }
0xce: {  	[dreg:$0x0] =	wrdreg $0xFFFFFFFF;
	(pc) =	sbr.abs _section_cstart, $3  }
0xcf: {  	[dreg:$0x1] =	wrdreg $0xFFFFFFFF  }
0xd0: {  	_ =	task.clear_ibuf [dreg:s22], $0x2FFFF;
	_ =	strace $0x9FFFFFFF  }
0xd1: {  	(tm) =	ssettm $0x7FFFFFFF  }
tec
execute0_lowered:
.L_overlay_start_1:
0x0: {  	(tag) =	ssettag $0x1  }
0x1: {  	s4 =	rddreg [dreg:$0x0]  }
0x2: {  	s5 =	rddreg [dreg:$0x1];
	s2 =	srdreg.scid  }
0x3: {  	s0 =	rddreg [dreg:$0x2];
	s1 =	stileid.u32  }
0x4: {  	s11 =	simm.s32 $0x2;
	s12 =	simm.s32 $0x80;
	s13 =	simm.s32 $0x100  }
0x5: {  	s14 =	simm.s32 $0x180;
	s15 =	simm.s32 $0x4180;
	s16 =	simm.s32 $0x8180  }
0x6: {  	s17 =	simm.s32 $0x1;
	s18 =	simm.s32 $0x0;
	s6 =	sand.u32 $0x1, s2  }
0x7: {  	s2 =	simm.s32 $0x0;
	s3 =	sshll.u32 s1, $0xB;
	s30 =	sshll.u32 s1, $0xF  }
0x8: {  	s7 =	sshll.u32 s6, $0xA;
	[smem:$0x7FF] =	sst s2;
	s8 =	ssub.s32 $0x2, s6  }
0x9: {  	s6 =	sshll.u32 s6, $0xE;
	s5 =	sadd.s32 s30, s5;
	s7 =	sor.u32 s7, s3  }
0xa: {  	_ =	strace $0x8000004A;
	s3 =	sadd.s32 $0x3000, s4;
	s7 =	sshrl.u32 s7, $0x3  }
0xb: {  	s9 =	sshrl.u32 s8, $0x1;
	s10 =	sadd.s32 s7, s4;
	s4 =	sadd.s32 s30, s4  }
0xc: {  	s5 =	sadd.s32 s6, s5;
	s8 =	ssub.s32 s8, s9;
	s31 =	sadd.s32 s6, s4  }
0xd: {  	s4 =	smax.u32 s8, $0x1;
	s8 =	sadd.s32 $0x1A8000, s10;
	s9 =	sadd.s32 $0x1A7000, s10  }
0xe: {  	s10 =	sadd.s32 $0x1A6000, s10;
	s6 =	sadd.s32 $0x1A9000, s31;
	s7 =	sadd.s32 $0x229000, s31  }
.LBB2_1:
0xf: {  	[tilespmem:s2], [sflag:$0x2] =	stream.linear.gather [hbm4b:s10+s2], $0x80, $0x38;
	[tilespmem:$0xC180] =	vst v63  }
0x10: {  	_ =	swait.ge [sflag:s11], $0x80  }
0x11: {  	[sflag:s11] =	ssyncset.done $0x0  }
0x12: {  	[sflag:s11] =	ssyncadd.s32 $0xFFFFFF80  }
0x13: {  	[tilespmem:s12], [sflag:$0x2] =	stream.linear.gather [hbm4b:s9+s2], $0x80, $0x38;
	[tilespmem:$0xC180] =	vst v63  }
0x14: {  	_ =	swait.ge [sflag:s11], $0x80  }
0x15: {  	[sflag:s11] =	ssyncset.done $0x0  }
0x16: {  	[sflag:s11] =	ssyncadd.s32 $0xFFFFFF80  }
0x17: {  	[tilespmem:s13], [sflag:$0x2] =	stream.linear.gather [hbm4b:s8+s2], $0x80, $0x38;
	[tilespmem:$0xC180] =	vst v63  }
0x18: {  	_ =	swait.ge [sflag:s11], $0x80  }
0x19: {  	[sflag:s11] =	ssyncset.done $0x0  }
0x1a: {  	[sflag:s11] =	ssyncadd.s32 $0xFFFFFF80  }
0x1b: {  	[tilespmem:s14], [sflag:$0x1] =	stream.indirect.gather [hbm4b:s3+s12], $0x80, s2, s12, $0xb8;
	[tilespmem:$0xC180] =	vst v63  }
0x1c: {  	_ = 	snop  }
0x1d: {  	[tilespmem:s15], [sflag:$0x1] =	stream.indirect.gather [hbm4b:s3+s12], $0x80, s12, s12, $0xb8;
	[tilespmem:$0xC180] =	vst v63  }
0x1e: {  	_ = 	snop  }
0x1f: {  	[tilespmem:s16], [sflag:$0x1] =	stream.indirect.gather [hbm4b:s3+s12], $0x80, s13, s12, $0xb8;
	[tilespmem:$0xC180] =	vst v63  }
0x20: {  	_ =	swait.ge [sflag:s17], $0x4000  }
0x21: {  	[sflag:s17] =	ssyncset.done $0x0  }
0x22: {  	[sflag:s17] =	ssyncadd.s32 $0xFFFFC000  }
0x23: {  	_ =	swait.ge [sflag:s17], $0x4000  }
0x24: {  	[sflag:s17] =	ssyncset.done $0x0  }
0x25: {  	[sflag:s17] =	ssyncadd.s32 $0xFFFFC000  }
0x26: {  	_ =	swait.ge [sflag:s17], $0x4000  }
0x27: {  	[sflag:s17] =	ssyncset.done $0x0  }
0x28: {  	s19 =	sadd.s32 $0x0, s5;
	[sflag:s17] =	ssyncadd.s32 $0xFFFFC000  }
0x29: {  	[hbm4b:s19+s2] =	stream.linear.scatter [tilespmem:s14], [sflag:$0x2], $0x4000, $0x38;
	[tilespmem:$0xC180] =	vst v63  }
0x2a: {  	_ =	swait.ge [sflag:s11], $0x4000  }
0x2b: {  	[sflag:s11] =	ssyncset.done $0x0  }
0x2c: {  	s30 =	sadd.s32 $0x0, s6;
	[sflag:s11] =	ssyncadd.s32 $0xFFFFC000  }
0x2d: {  	[hbm4b:s30+s2] =	stream.linear.scatter [tilespmem:s15], [sflag:$0x2], $0x4000, $0x38;
	[tilespmem:$0xC180] =	vst v63  }
0x2e: {  	_ =	swait.ge [sflag:s11], $0x4000  }
0x2f: {  	[sflag:s11] =	ssyncset.done $0x0  }
0x30: {  	s31 =	sadd.s32 $0x0, s7;
	[sflag:s11] =	ssyncadd.s32 $0xFFFFC000  }
0x31: {  	[hbm4b:s31+s2] =	stream.linear.scatter [tilespmem:s16], [sflag:$0x2], $0x4000, $0x38;
	[tilespmem:$0xC180] =	vst v63  }
0x32: {  	s20 =	sadd.s32 $0x10, s10;
	s21 =	smov.u32 s8;
	_ =	swait.ge [sflag:s11], $0x4000  }
0x33: {  	s22 =	smov.u32 s9;
	s19 =	simm.s32 $0x800;
	[sflag:s11] =	ssyncset.done $0x0  }
.LBB2_2:
0x34: {  	[sflag:s11] =	ssyncadd.s32 $0xFFFFC000  }
0x35: {  	s21 =	sadd.s32 $0x10, s21;
	s22 =	sadd.s32 $0x10, s22;
	s23 =	smov.u32 s19  }
0x36: {  	[tilespmem:s2], [sflag:$0x2] =	stream.linear.gather [hbm4b:s20+s2], $0x80, $0x38;
	[tilespmem:$0xC180] =	vst v63  }
0x37: {  	p0 =	sne.s32 s19, $0x3800;
	s19 =	sadd.s32 $0x800, s19;
	_ =	swait.ge [sflag:s11], $0x80  }
0x38: {  	[sflag:s11] =	ssyncset.done $0x0  }
0x39: {  	[sflag:s11] =	ssyncadd.s32 $0xFFFFFF80  }
0x3a: {  	[tilespmem:s12], [sflag:$0x2] =	stream.linear.gather [hbm4b:s22+s2], $0x80, $0x38;
	[tilespmem:$0xC180] =	vst v63  }
0x3b: {  	_ =	swait.ge [sflag:s11], $0x80  }
0x3c: {  	[sflag:s11] =	ssyncset.done $0x0  }
0x3d: {  	[sflag:s11] =	ssyncadd.s32 $0xFFFFFF80  }
0x3e: {  	[tilespmem:s13], [sflag:$0x2] =	stream.linear.gather [hbm4b:s21+s2], $0x80, $0x38;
	[tilespmem:$0xC180] =	vst v63  }
0x3f: {  	_ =	swait.ge [sflag:s11], $0x80  }
0x40: {  	[sflag:s11] =	ssyncset.done $0x0  }
0x41: {  	[sflag:s11] =	ssyncadd.s32 $0xFFFFFF80  }
0x42: {  	[tilespmem:s14], [sflag:$0x1] =	stream.indirect.gather [hbm4b:s3+s12], $0x80, s2, s12, $0xb8;
	[tilespmem:$0xC180] =	vst v63  }
0x43: {  	_ = 	snop  }
0x44: {  	[tilespmem:s15], [sflag:$0x1] =	stream.indirect.gather [hbm4b:s3+s12], $0x80, s12, s12, $0xb8;
	[tilespmem:$0xC180] =	vst v63  }
0x45: {  	_ = 	snop  }
0x46: {  	[tilespmem:s16], [sflag:$0x1] =	stream.indirect.gather [hbm4b:s3+s12], $0x80, s13, s12, $0xb8;
	[tilespmem:$0xC180] =	vst v63  }
0x47: {  	_ =	swait.ge [sflag:s17], $0x4000  }
0x48: {  	[sflag:s17] =	ssyncset.done $0x0  }
0x49: {  	[sflag:s17] =	ssyncadd.s32 $0xFFFFC000  }
0x4a: {  	_ =	swait.ge [sflag:s17], $0x4000  }
0x4b: {  	[sflag:s17] =	ssyncset.done $0x0  }
0x4c: {  	[sflag:s17] =	ssyncadd.s32 $0xFFFFC000  }
0x4d: {  	_ =	swait.ge [sflag:s17], $0x4000  }
0x4e: {  	[sflag:s17] =	ssyncset.done $0x0  }
0x4f: {  	s24 =	sadd.s32 s23, s5;
	[sflag:s17] =	ssyncadd.s32 $0xFFFFC000  }
0x50: {  	[hbm4b:s24+s2] =	stream.linear.scatter [tilespmem:s14], [sflag:$0x2], $0x4000, $0x38;
	[tilespmem:$0xC180] =	vst v63  }
0x51: {  	_ =	swait.ge [sflag:s11], $0x4000  }
0x52: {  	[sflag:s11] =	ssyncset.done $0x0  }
0x53: {  	s24 =	sadd.s32 s23, s6;
	[sflag:s11] =	ssyncadd.s32 $0xFFFFC000  }
0x54: {  	[hbm4b:s24+s2] =	stream.linear.scatter [tilespmem:s15], [sflag:$0x2], $0x4000, $0x38;
	[tilespmem:$0xC180] =	vst v63  }
0x55: {  	_ =	swait.ge [sflag:s11], $0x4000  }
.Ltmp0:
0x56: {  	[sflag:s11] =	ssyncset.done $0x0;
	(pc) =	sbr.rel @p0 .LBB2_2-.Ltmp0, $4  }
0x57: {  	s23 =	sadd.s32 s23, s7;
	[sflag:s11] =	ssyncadd.s32 $0xFFFFC000  }
0x58: {  	[hbm4b:s23+s2] =	stream.linear.scatter [tilespmem:s16], [sflag:$0x2], $0x4000, $0x38;
	[tilespmem:$0xC180] =	vst v63  }
0x59: {  	_ =	swait.ge [sflag:s11], $0x4000  }
0x5a: {  	s20 =	sadd.s32 $0x10, s20;
	[sflag:s11] =	ssyncset.done $0x0  }
0x5b: {  	s18 =	sadd.s32 $0x1, s18  }
0x5c: {  	p0 =	sne.s32 s18, s4  }
.Ltmp1:
0x5d: {  	_ = 	snop;
	(pc) =	sbr.rel @p0 .LBB2_1-.Ltmp1, $2  }
0x5e: {  	_ =	sdelay $0x2  }
0x5f: {  	[sflag:s11] =	ssyncadd.s32 $0xFFFFC000  }
0x60: {  	_ =	sfence.sel $0x180000  }
0x61: {  	[bflag:$0x0] =	sbarrier.arrive $0xFFFF  }
0x62: {  	p0 =	sne.s32 s1, $0x0;
	_ =	strace $0x9000004A  }
0x63: {  	s0 =	sadd.s32 @!p0 $0x100000, s0;
	[bflag:$0x2] =	sbarrier.arrive $0xFFFF  }
0x64: {  	[sflag:s0] =	ssyncadd.tile.s32 @!p0 $0x1;
	_ =	shalt  }
.Lfunc_end2:
_tile_overlayer_lowered:
.L_overlay_start_2:
0x65: {  	(tag) =	ssettag $0x2  }
0x66: {  	s0 =	rddreg [dreg:$0x0];
	s2 =	stileid.u32  }
0x67: {  	s1 =	rddreg [dreg:$0x1];
	p0 =	sne.s32 s2, $0x0  }
0x68: {  	s3 =	rddreg [dreg:$0x2];
	[bflag:$0x3] =	sbarrier.arrive $0xFFFF;
	s2 =	simm.s32 @!p0 $0x1C02  }
0x69: {  	[timem:s3], [sflag:s2] =	dma.local @!p0 [hbm:s0], s1  }
0x6a: {  	s0 =	simm.s32 @!p0 $0x2  }
0x6b: {  	_ =	swait.ge @!p0 [sflag:s0], s1  }
0x6c: {  	s1 =	ssub.s32 @!p0 $0x0, s1;
	[sflag:s0] =	ssyncset.done @!p0 $0x0  }
0x6d: {  	[sflag:s0] =	ssyncadd.s32 @!p0 s1  }
0x6e: {  	[bflag:$0x3] =	sbarrier.arrive $0xFFFF  }
0x6f: {  	_ =	shalt  }

// kernel: kernel.9.cloned.1.call-start
scs
__scs_entry_jumppad:
0x0: {  	(pc) =	sbr.rel $0x88, $3  }
0x1: {  	(tag) =	ssettag $0x0;
	lr =	simm.s32 $0x1  }
0x2: {  	[smem:$0x3F99] =	sst lr;
	_ =	strace $0xD0000000  }
0x3: {  	_ = 	snop  }
0x4: {  	_ = 	snop  }
0x5: {  	_ = 	snop  }
0x6: {  	_ = 	snop  }
0x7: {  	_ = 	snop  }
__scs_overlays_trampoline_lowered:
0x8: {  	[smem:$0x3FA8] =	sst s0  }
0x9: {  	[smem:$0x3FA9] =	sst s1  }
0xa: {  	[smem:$0x3FAA] =	sst s2  }
0xb: {  	[smem:$0x3FAB] =	sst s3  }
0xc: {  	[smem:$0x3FAC] =	sst s4  }
0xd: {  	[smem:$0x3FAD] =	sst s5  }
0xe: {  	[smem:$0x3FAE] =	sst s6  }
0xf: {  	[smem:$0x3FAF] =	sst s7  }
0x10: {  	[smem:$0x3FB0] =	sst s8  }
0x11: {  	[smem:$0x3FB1] =	sst s9;
	s0 =	simm.s32 @!p0 $0x0  }
0x12: {  	s1 =	sld [smem:$0x3F97];
	s0 =	simm.s32 @p0 $0x1  }
0x13: {  	[smem:$0x3FB2] =	sst s0;
	s0 =	simm.s32 @!p1 $0x0  }
0x14: {  	s2 =	sld [smem:$0x3F96];
	s0 =	simm.s32 @p1 $0x1  }
0x15: {  	[smem:$0x3FB3] =	sst s0;
	s0 =	simm.s32 @!p2 $0x0  }
0x16: {  	s3 =	sld [smem:$0x3FDB];
	s0 =	simm.s32 @p2 $0x1  }
0x17: {  	s4 =	simm.s32 $0x1BF5;
	[smem:$0x3FB5] =	sst s0  }
0x18: {  	s0 =	sld [smem:$0x3F98];
	_ =	swait.ge [sflag:s4], $0x0  }
0x19: {  	s7 =	sld [smem:$0x3F99]  }
0x1a: {  	s8 =	sadd.s32 $0xFFFFE003, lr  }
0x1b: {  	s9 =	sadd.s32 $0xFFFFFEF7, lr;
	s5 =	simm.s32 $0xFFFFFFFF;
	p2 =	slt.u32 s8, $0xFFFFF086  }
0x1c: {  	p1 =	slt.u32 s9, $0xF7A;
	s5 =	simm.s32 @!p2 $0x0  }
0x1d: {  	s5 =	simm.s32 @p1 $0x1;
	p0 =	seq.s32 s7, s2  }
0x1e: {  	s7 =	smul.u32 @!p0 $0xF7A, s2;
	p2 =	seq.s32 @!p0 s5, $0x0  }
0x1f: {  	s9 =	smul.u32 $0xF7A, s1;
	s8 =	simm.s32 @!p0 $0x1BF5;
	p2 =	por !p2, p0  }
0x20: {  	[sflag:s8] =	ssyncset.s32 @!p0 $0xFFFFF086;
	s6 =	sadd.s32 @!p0 s3, s7;
	s7 =	simm.s32 @!p0 $0x108  }
0x21: {  	s3 =	sadd.s32 s3, s9;
	s6 =	sadd.s32 @!p0 $0x88, s6;
	s7 =	simm.s32 @p2 $0x1082  }
0x22: {  	[simem:s7], [sflag:s8] =	dma.local @!p0 [hbm:s6], $0xF7A  }
0x23: {  	s9 =	sor.u32 $0xD0000000, s2;
	s6 =	simm.s32 $0x108;
	_ =	swait.ge @!p0 [sflag:s8], $0x0  }
0x24: {  	s3 =	sadd.s32 $0x88, s3;
	s6 =	simm.s32 @!p1 $0x1082;
	[sflag:s4] =	ssyncset.s32 $0xFFFFF086  }
0x25: {  	[simem:s6], [sflag:s4] =	dma.local [hbm:s3], $0xF7A  }
0x26: {  	[smem:$0x3F99] =	sst s1;
	(tag) =	ssettag s2;
	_ =	strace s9  }
0x27: {  	s1 =	sld [smem:$0x3FA9]  }
0x28: {  	s2 =	sld [smem:$0x3FAA]  }
0x29: {  	s4 =	sld [smem:$0x3FAC]  }
0x2a: {  	p0 =	seq.s32 s5, $0x0;
	s5 =	sld [smem:$0x3FAD]  }
0x2b: {  	s6 =	sld [smem:$0x3FAE]  }
0x2c: {  	s7 =	sld [smem:$0x3FAF]  }
0x2d: {  	s3 =	simm.s32 $0x108;
	s8 =	sld [smem:$0x3FB0]  }
0x2e: {  	s3 =	simm.s32 @!p0 $0x1082;
	s9 =	sld [smem:$0x3FB1]  }
0x2f: {  	lr =	sadd.s32 s0, s3;
	s0 =	sld [smem:$0x3FA8]  }
0x30: {  	s3 =	sld [smem:$0x3FAB]  }
0x31: {  	[smem:$0x3FB4] =	sst s10  }
0x32: {  	s10 =	sld [smem:$0x3FB2];
	_ =	sdelay $0x3  }
0x33: {  	p0 =	seq.s32 s10, $0x1;
	s10 =	sld [smem:$0x3FB4];
	_ =	sdelay $0x3  }
0x34: {  	[smem:$0x3FB4] =	sst s10  }
0x35: {  	s10 =	sld [smem:$0x3FB3];
	_ =	sdelay $0x3  }
0x36: {  	p1 =	seq.s32 s10, $0x1;
	s10 =	sld [smem:$0x3FB4];
	_ =	sdelay $0x3  }
0x37: {  	[smem:$0x3FB4] =	sst s10  }
0x38: {  	s10 =	sld [smem:$0x3FB5]  }
0x39: {  	_ = 	snop;
	(pc) =	sbr.ind lr, $3  }
0x3a: {  	_ = 	snop  }
0x3b: {  	_ = 	snop  }
0x3c: {  	p2 =	seq.s32 s10, $0x1;
	s10 =	sld [smem:$0x3FB4]  }
0x3d: {  	_ =	shalt  }
0x3e: {  	_ =	shalt  }
0x3f: {  	_ =	shalt  }
0x40: {  	_ =	shalt  }
0x41: {  	_ =	shalt  }
0x42: {  	_ =	shalt  }
0x43: {  	_ =	shalt  }
0x44: {  	_ =	shalt  }
0x45: {  	_ =	shalt  }
0x46: {  	_ =	shalt  }
0x47: {  	_ =	shalt  }
0x48: {  	_ =	shalt  }
0x49: {  	_ =	shalt  }
0x4a: {  	_ =	shalt  }
0x4b: {  	_ =	shalt  }
0x4c: {  	_ =	shalt  }
0x4d: {  	_ =	shalt  }
0x4e: {  	_ =	shalt  }
0x4f: {  	_ =	shalt  }
0x50: {  	_ =	shalt  }
0x51: {  	_ =	shalt  }
0x52: {  	_ =	shalt  }
0x53: {  	_ =	shalt  }
0x54: {  	_ =	shalt  }
0x55: {  	_ =	shalt  }
0x56: {  	_ =	shalt  }
0x57: {  	_ =	shalt  }
0x58: {  	_ =	shalt  }
0x59: {  	_ =	shalt  }
0x5a: {  	_ =	shalt  }
0x5b: {  	_ =	shalt  }
0x5c: {  	_ =	shalt  }
0x5d: {  	_ =	shalt  }
0x5e: {  	_ =	shalt  }
0x5f: {  	_ =	shalt  }
0x60: {  	_ =	shalt  }
0x61: {  	_ =	shalt  }
0x62: {  	_ =	shalt  }
0x63: {  	_ =	shalt  }
0x64: {  	_ =	shalt  }
0x65: {  	_ =	shalt  }
0x66: {  	_ =	shalt  }
0x67: {  	_ =	shalt  }
0x68: {  	_ =	shalt  }
0x69: {  	_ =	shalt  }
0x6a: {  	_ =	shalt  }
0x6b: {  	_ =	shalt  }
0x6c: {  	_ =	shalt  }
0x6d: {  	_ =	shalt  }
0x6e: {  	_ =	shalt  }
0x6f: {  	_ =	shalt  }
0x70: {  	_ =	shalt  }
0x71: {  	_ =	shalt  }
0x72: {  	_ =	shalt  }
0x73: {  	_ =	shalt  }
0x74: {  	_ =	shalt  }
0x75: {  	_ =	shalt  }
0x76: {  	_ =	shalt  }
0x77: {  	_ =	shalt  }
0x78: {  	_ =	shalt  }
0x79: {  	_ =	shalt  }
0x7a: {  	_ =	shalt  }
0x7b: {  	_ =	shalt  }
0x7c: {  	_ =	shalt  }
0x7d: {  	_ =	shalt  }
0x7e: {  	_ =	shalt  }
0x7f: {  	_ =	shalt  }
0x80: {  	_ =	shalt  }
0x81: {  	_ =	shalt  }
0x82: {  	_ =	shalt  }
0x83: {  	_ =	shalt  }
0x84: {  	_ =	shalt  }
0x85: {  	_ =	shalt  }
0x86: {  	_ =	shalt  }
0x87: {  	_ =	shalt  }
.Lfunc_end0:
.L_simem_size_0:
called_computation_lowered:
.L_overlay_start_0:
0x88: {  	s2 =	sld [smem:$0x3FD9]  }
0x89: {  	s3 =	sld [smem:$0x3FFE];
	_ =	sdelay $0x1  }
0x8a: {  	s1 =	srdreg.scid  }
0x8b: {  	s0 =	sand.u32 $0x1, s1  }
0x8c: {  	s16 =	sshll.u32 s0, $0xA;
	s2 =	sadd.s32 s3, s2  }
0x8d: {  	s2 =	sadd.s32 s2, s16  }
0x8e: {  	[smem:$0x3FC0] =	sst s2  }
0x8f: {  	_ = 	snop  }
0x90: {  	(tm) =	ssettm $0x1  }
0x91: {  	s17 =	sld [smem:$0x3FFB];
	_ =	sdelay $0x3  }
0x92: {  	_ =	strace s17  }
0x93: {  	s2 =	sld [smem:$0x3FFC];
	_ =	sdelay $0x3  }
0x94: {  	_ =	strace s2  }
0x95: {  	s2 =	sld [smem:$0x3FFD];
	_ =	sdelay $0x3  }
0x96: {  	_ =	strace s2  }
0x97: {  	_ =	strace $0x8FFFFFFF  }
0x98: {  	s18 =	sld [smem:$0x3FDB];
	_ =	sdelay $0x1  }
0x99: {  	s19 =	simm.s32 $_scs_section_size  }
0x9a: {  	s4 =	simm.s32 $_size__tile_overlayer_lowered;
	s5 =	simm.s32 $_tile_overlayer_lowered  }
0x9b: {  	s22 =	simm.s32 $0x1BFF;
	s21 =	sshll.u32 s5, $0x1;
	s2 =	sadd.s32 s19, s18  }
0x9c: {  	s6 =	simm.s32 $0x0;
	s20 =	sshll.u32 s4, $0x1;
	s4 =	sadd.s32 s21, s2  }
0x9d: {  	[timem:s6], [sflag:s22] =	dma.local [hbm:s4], s20  }
0x9e: {  	_ =	swait.ge [sflag:s22], s20  }
0x9f: {  	s3 =	ssub.s32 $0x0, s20;
	[sflag:s22] =	ssyncset.done $0x0  }
0xa0: {  	[sflag:s22] =	ssyncadd.s32 s3;
	_ =	sdelay $0x1  }
0xa1: {  	s23 =	simm.s32 $0x1B8B  }
0xa2: {  	_ =	swait.ge [sflag:s23], $0x1  }
0xa3: {  	[sflag:s23] =	ssyncset.done $0x0  }
0xa4: {  	s25 =	simm.s32 $0x1B8E;
	s24 =	sld [smem:$0x3FFE];
	[sflag:s23] =	ssyncadd.s32 $0xFFFFFFFF  }
0xa5: {  	s26 =	simm.s32 $execute0_lowered;
	[smem:$0x3FD2] =	sst s25  }
0xa6: {  	s4 =	sshll.u32 s26, $0x1;
	_ =	strace $0x80000046;
	[dreg:$0x1] =	wrdreg $0xFFFFFFFF  }
0xa7: {  	s28 =	simm.s32 $_size_execute0_lowered;
	s2 =	sadd.s32 s2, s4;
	[dreg:$0x0] =	wrdreg $0x0  }
0xa8: {  	s4 =	sshll.u32 s28, $0x1;
	[dreg:$0x2] =	wrdreg s2  }
0xa9: {  	[dreg:$0x3] =	wrdreg s4  }
0xaa: {  	[dreg:$0x4] =	wrdreg $0xC0  }
0xab: {  	_ =	task [dreg:s6], $0x5FFFF  }
0xac: {  	[dreg:$0x1] =	wrdreg $0xFFFFFFFF  }
0xad: {  	[dreg:$0x0] =	wrdreg $0x60  }
0xae: {  	[dreg:$0x2] =	wrdreg s24  }
0xaf: {  	[dreg:$0x3] =	wrdreg $0x9  }
0xb0: {  	_ =	task.clear_ibuf [dreg:s6], $0x4FFFF;
	_ =	strace $0x90000046  }
0xb1: {  	s29 =	simm.s32 $0x9;
	_ =	strace $0x80000048  }
0xb2: {  	_ =	swait.ge [sflag:s29], $0x1  }
0xb3: {  	[sflag:s29] =	ssyncadd.s32 $0xFFFFFFFF  }
0xb4: {  	_ =	strace $0x90000048  }
0xb5: {  	_ =	sfence  }
0xb6: {  	s30 =	sld [smem:$0x0];
	_ =	sdelay $0x2  }
0xb7: {  	s31 =	sshll.u32 s1, $0xD;
	s1 =	sshrl.u32 s1, $0x2  }
0xb8: {  	s3 =	sand.u32 $0x4000, s31;
	s1 =	sadd.s32 s1, s30  }
0xb9: {  	s0 =	sor.u32 s3, s0;
	s1 =	sshll.u32 s1, $0x11  }
0xba: {  	s0 =	sor.u32 s1, s0  }
0xbb: {  	s0 =	sadd.s32 $0x8F2B, s0  }
0xbc: {  	[sflag:s0] =	ssyncadd.remote.s32 $0x1  }
0xbd: {  	_ =	sfence.sel $0xFFFF  }
0xbe: {  	[dreg:$0x0] =	wrdreg $0xFFFFFFFF;
	(pc) =	sbr.abs _section_cstart, $3  }
0xbf: {  	[dreg:$0x1] =	wrdreg $0xFFFFFFFF  }
0xc0: {  	_ =	task.clear_ibuf [dreg:s6], $0x2FFFF;
	_ =	strace $0x9FFFFFFF  }
0xc1: {  	(tm) =	ssettm $0x7FFFFFFF  }
tec
execute0_lowered:
.L_overlay_start_1:
0x0: {  	(tag) =	ssettag $0x1  }
0x1: {  	s4 =	rddreg [dreg:$0x0]  }
0x2: {  	s0 =	rddreg [dreg:$0x1];
	s3 =	srdreg.scid  }
0x3: {  	s2 =	simm.s32 $0x0;
	s1 =	stileid.u32;
	s11 =	simm.s32 $0x2  }
0x4: {  	s12 =	simm.s32 $0x80;
	s13 =	simm.s32 $0x100;
	s14 =	simm.s32 $0x180  }
0x5: {  	s15 =	simm.s32 $0x4180;
	s16 =	simm.s32 $0x8180;
	s17 =	simm.s32 $0x1  }
0x6: {  	s18 =	simm.s32 $0x0;
	s5 =	sand.u32 $0x1, s3;
	[smem:$0x7FF] =	sst s2  }
0x7: {  	s6 =	sshll.u32 s1, $0xB;
	s3 =	sadd.s32 $0x3000, s4;
	s30 =	sshll.u32 s1, $0xF  }
0x8: {  	s7 =	sshll.u32 s5, $0xA;
	_ =	strace $0x80000047;
	s8 =	ssub.s32 $0x2, s5  }
0x9: {  	s5 =	sshll.u32 s5, $0xE;
	s6 =	sor.u32 s7, s6;
	s9 =	sshrl.u32 s8, $0x1  }
0xa: {  	s7 =	sadd.s32 s30, s4;
	s6 =	sshrl.u32 s6, $0x3;
	s31 =	ssub.s32 s8, s9  }
0xb: {  	s7 =	sadd.s32 s5, s7;
	s10 =	sadd.s32 s6, s4;
	s4 =	smax.u32 s31, $0x1  }
0xc: {  	s5 =	sadd.s32 $0x26000, s7;
	s6 =	sadd.s32 $0xA6000, s7;
	s7 =	sadd.s32 $0x126000, s7  }
0xd: {  	s8 =	sadd.s32 $0x25000, s10;
	s9 =	sadd.s32 $0x24000, s10;
	s10 =	sadd.s32 $0x23000, s10  }
.LBB2_1:
0xe: {  	[tilespmem:s2], [sflag:$0x2] =	stream.linear.gather [hbm4b:s10+s2], $0x80, $0x38;
	[tilespmem:$0xC180] =	vst v63  }
0xf: {  	_ =	swait.ge [sflag:s11], $0x80  }
0x10: {  	[sflag:s11] =	ssyncset.done $0x0  }
0x11: {  	[sflag:s11] =	ssyncadd.s32 $0xFFFFFF80  }
0x12: {  	[tilespmem:s12], [sflag:$0x2] =	stream.linear.gather [hbm4b:s9+s2], $0x80, $0x38;
	[tilespmem:$0xC180] =	vst v63  }
0x13: {  	_ =	swait.ge [sflag:s11], $0x80  }
0x14: {  	[sflag:s11] =	ssyncset.done $0x0  }
0x15: {  	[sflag:s11] =	ssyncadd.s32 $0xFFFFFF80  }
0x16: {  	[tilespmem:s13], [sflag:$0x2] =	stream.linear.gather [hbm4b:s8+s2], $0x80, $0x38;
	[tilespmem:$0xC180] =	vst v63  }
0x17: {  	_ =	swait.ge [sflag:s11], $0x80  }
0x18: {  	[sflag:s11] =	ssyncset.done $0x0  }
0x19: {  	[sflag:s11] =	ssyncadd.s32 $0xFFFFFF80  }
0x1a: {  	[tilespmem:s14], [sflag:$0x1] =	stream.indirect.gather [hbm4b:s3+s12], $0x80, s2, s12, $0xb8;
	[tilespmem:$0xC180] =	vst v63  }
0x1b: {  	_ = 	snop  }
0x1c: {  	[tilespmem:s15], [sflag:$0x1] =	stream.indirect.gather [hbm4b:s3+s12], $0x80, s12, s12, $0xb8;
	[tilespmem:$0xC180] =	vst v63  }
0x1d: {  	_ = 	snop  }
0x1e: {  	[tilespmem:s16], [sflag:$0x1] =	stream.indirect.gather [hbm4b:s3+s12], $0x80, s13, s12, $0xb8;
	[tilespmem:$0xC180] =	vst v63  }
0x1f: {  	_ =	swait.ge [sflag:s17], $0x4000  }
0x20: {  	[sflag:s17] =	ssyncset.done $0x0  }
0x21: {  	[sflag:s17] =	ssyncadd.s32 $0xFFFFC000  }
0x22: {  	_ =	swait.ge [sflag:s17], $0x4000  }
0x23: {  	[sflag:s17] =	ssyncset.done $0x0  }
0x24: {  	[sflag:s17] =	ssyncadd.s32 $0xFFFFC000  }
0x25: {  	_ =	swait.ge [sflag:s17], $0x4000  }
0x26: {  	[sflag:s17] =	ssyncset.done $0x0  }
0x27: {  	s19 =	sadd.s32 $0x0, s5;
	[sflag:s17] =	ssyncadd.s32 $0xFFFFC000  }
0x28: {  	[hbm4b:s19+s2] =	stream.linear.scatter [tilespmem:s14], [sflag:$0x2], $0x4000, $0x38;
	[tilespmem:$0xC180] =	vst v63  }
0x29: {  	_ =	swait.ge [sflag:s11], $0x4000  }
0x2a: {  	[sflag:s11] =	ssyncset.done $0x0  }
0x2b: {  	s30 =	sadd.s32 $0x0, s6;
	[sflag:s11] =	ssyncadd.s32 $0xFFFFC000  }
0x2c: {  	[hbm4b:s30+s2] =	stream.linear.scatter [tilespmem:s15], [sflag:$0x2], $0x4000, $0x38;
	[tilespmem:$0xC180] =	vst v63  }
0x2d: {  	_ =	swait.ge [sflag:s11], $0x4000  }
0x2e: {  	[sflag:s11] =	ssyncset.done $0x0  }
0x2f: {  	s31 =	sadd.s32 $0x0, s7;
	[sflag:s11] =	ssyncadd.s32 $0xFFFFC000  }
0x30: {  	[hbm4b:s31+s2] =	stream.linear.scatter [tilespmem:s16], [sflag:$0x2], $0x4000, $0x38;
	[tilespmem:$0xC180] =	vst v63  }
0x31: {  	s20 =	sadd.s32 $0x10, s10;
	s21 =	smov.u32 s8;
	_ =	swait.ge [sflag:s11], $0x4000  }
0x32: {  	s22 =	smov.u32 s9;
	s19 =	simm.s32 $0x800;
	[sflag:s11] =	ssyncset.done $0x0  }
.LBB2_2:
0x33: {  	[sflag:s11] =	ssyncadd.s32 $0xFFFFC000  }
0x34: {  	s21 =	sadd.s32 $0x10, s21;
	s22 =	sadd.s32 $0x10, s22;
	s23 =	smov.u32 s19  }
0x35: {  	[tilespmem:s2], [sflag:$0x2] =	stream.linear.gather [hbm4b:s20+s2], $0x80, $0x38;
	[tilespmem:$0xC180] =	vst v63  }
0x36: {  	p0 =	sne.s32 s19, $0x3800;
	s19 =	sadd.s32 $0x800, s19;
	_ =	swait.ge [sflag:s11], $0x80  }
0x37: {  	[sflag:s11] =	ssyncset.done $0x0  }
0x38: {  	[sflag:s11] =	ssyncadd.s32 $0xFFFFFF80  }
0x39: {  	[tilespmem:s12], [sflag:$0x2] =	stream.linear.gather [hbm4b:s22+s2], $0x80, $0x38;
	[tilespmem:$0xC180] =	vst v63  }
0x3a: {  	_ =	swait.ge [sflag:s11], $0x80  }
0x3b: {  	[sflag:s11] =	ssyncset.done $0x0  }
0x3c: {  	[sflag:s11] =	ssyncadd.s32 $0xFFFFFF80  }
0x3d: {  	[tilespmem:s13], [sflag:$0x2] =	stream.linear.gather [hbm4b:s21+s2], $0x80, $0x38;
	[tilespmem:$0xC180] =	vst v63  }
0x3e: {  	_ =	swait.ge [sflag:s11], $0x80  }
0x3f: {  	[sflag:s11] =	ssyncset.done $0x0  }
0x40: {  	[sflag:s11] =	ssyncadd.s32 $0xFFFFFF80  }
0x41: {  	[tilespmem:s14], [sflag:$0x1] =	stream.indirect.gather [hbm4b:s3+s12], $0x80, s2, s12, $0xb8;
	[tilespmem:$0xC180] =	vst v63  }
0x42: {  	_ = 	snop  }
0x43: {  	[tilespmem:s15], [sflag:$0x1] =	stream.indirect.gather [hbm4b:s3+s12], $0x80, s12, s12, $0xb8;
	[tilespmem:$0xC180] =	vst v63  }
0x44: {  	_ = 	snop  }
0x45: {  	[tilespmem:s16], [sflag:$0x1] =	stream.indirect.gather [hbm4b:s3+s12], $0x80, s13, s12, $0xb8;
	[tilespmem:$0xC180] =	vst v63  }
0x46: {  	_ =	swait.ge [sflag:s17], $0x4000  }
0x47: {  	[sflag:s17] =	ssyncset.done $0x0  }
0x48: {  	[sflag:s17] =	ssyncadd.s32 $0xFFFFC000  }
0x49: {  	_ =	swait.ge [sflag:s17], $0x4000  }
0x4a: {  	[sflag:s17] =	ssyncset.done $0x0  }
0x4b: {  	[sflag:s17] =	ssyncadd.s32 $0xFFFFC000  }
0x4c: {  	_ =	swait.ge [sflag:s17], $0x4000  }
0x4d: {  	[sflag:s17] =	ssyncset.done $0x0  }
0x4e: {  	s24 =	sadd.s32 s23, s5;
	[sflag:s17] =	ssyncadd.s32 $0xFFFFC000  }
0x4f: {  	[hbm4b:s24+s2] =	stream.linear.scatter [tilespmem:s14], [sflag:$0x2], $0x4000, $0x38;
	[tilespmem:$0xC180] =	vst v63  }
0x50: {  	_ =	swait.ge [sflag:s11], $0x4000  }
0x51: {  	[sflag:s11] =	ssyncset.done $0x0  }
0x52: {  	s24 =	sadd.s32 s23, s6;
	[sflag:s11] =	ssyncadd.s32 $0xFFFFC000  }
0x53: {  	[hbm4b:s24+s2] =	stream.linear.scatter [tilespmem:s15], [sflag:$0x2], $0x4000, $0x38;
	[tilespmem:$0xC180] =	vst v63  }
0x54: {  	_ =	swait.ge [sflag:s11], $0x4000  }
.Ltmp0:
0x55: {  	[sflag:s11] =	ssyncset.done $0x0;
	(pc) =	sbr.rel @p0 .LBB2_2-.Ltmp0, $4  }
0x56: {  	s23 =	sadd.s32 s23, s7;
	[sflag:s11] =	ssyncadd.s32 $0xFFFFC000  }
0x57: {  	[hbm4b:s23+s2] =	stream.linear.scatter [tilespmem:s16], [sflag:$0x2], $0x4000, $0x38;
	[tilespmem:$0xC180] =	vst v63  }
0x58: {  	_ =	swait.ge [sflag:s11], $0x4000  }
0x59: {  	s20 =	sadd.s32 $0x10, s20;
	[sflag:s11] =	ssyncset.done $0x0  }
0x5a: {  	s18 =	sadd.s32 $0x1, s18  }
0x5b: {  	p0 =	sne.s32 s18, s4  }
.Ltmp1:
0x5c: {  	_ = 	snop;
	(pc) =	sbr.rel @p0 .LBB2_1-.Ltmp1, $2  }
0x5d: {  	_ =	sdelay $0x2  }
0x5e: {  	[sflag:s11] =	ssyncadd.s32 $0xFFFFC000  }
0x5f: {  	_ =	sfence.sel $0x180000  }
0x60: {  	[bflag:$0x0] =	sbarrier.arrive $0xFFFF  }
0x61: {  	p0 =	sne.s32 s1, $0x0;
	_ =	strace $0x90000047  }
0x62: {  	s0 =	sadd.s32 @!p0 $0x100000, s0;
	[bflag:$0x2] =	sbarrier.arrive $0xFFFF  }
0x63: {  	[sflag:s0] =	ssyncadd.tile.s32 @!p0 $0x1;
	_ =	shalt  }
.Lfunc_end2:
_tile_overlayer_lowered:
.L_overlay_start_2:
0x64: {  	(tag) =	ssettag $0x2  }
0x65: {  	s0 =	rddreg [dreg:$0x0];
	s2 =	stileid.u32  }
0x66: {  	s1 =	rddreg [dreg:$0x1];
	p0 =	sne.s32 s2, $0x0  }
0x67: {  	s3 =	rddreg [dreg:$0x2];
	[bflag:$0x3] =	sbarrier.arrive $0xFFFF;
	s2 =	simm.s32 @!p0 $0x1C02  }
0x68: {  	[timem:s3], [sflag:s2] =	dma.local @!p0 [hbm:s0], s1  }
0x69: {  	s0 =	simm.s32 @!p0 $0x2  }
0x6a: {  	_ =	swait.ge @!p0 [sflag:s0], s1  }
0x6b: {  	s1 =	ssub.s32 @!p0 $0x0, s1;
	[sflag:s0] =	ssyncset.done @!p0 $0x0  }
0x6c: {  	[sflag:s0] =	ssyncadd.s32 @!p0 s1  }
0x6d: {  	[bflag:$0x3] =	sbarrier.arrive $0xFFFF  }
0x6e: {  	_ =	shalt  }

</sc_bundles>
